<compile_context>
chip_gen: v7x
topology: tpu7x:2x2x1
jax: 0.10.2.dev20260603
libtpu: 0.0.44.dev20260713+nightly
codegen_flags: <defaults>
</compile_context>

<pallas_src>
import functools

import jax
import jax.numpy as jnp
from jax import lax
from jax.experimental import pallas as pl
from jax.experimental.pallas import tpu as pltpu
from jax.experimental.pallas import tpu_sc as plsc

N = 10000
D = 128
H = 64
E = 320000
CHUNK = 256
N_PAD = 10240
N_AGG = N_PAD


def _tc1_body(x_ref, wrel_ref, wroot_ref, b_ref, y_ref, z_ref):
    x = x_ref[...]
    y_ref[0:N, :] = jnp.dot(x, wrel_ref[...], preferred_element_type=jnp.float32)
    y_ref[N:N_PAD, :] = jnp.zeros((N_PAD - N, H), jnp.float32)
    z_ref[...] = (
        jnp.dot(x, wroot_ref[...], preferred_element_type=jnp.float32) + b_ref[...]
    )


def _tc2_body(aggp_ref, z1_ref, wrel_ref, wroot_ref, b_ref, y_ref, z_ref):
    agg = aggp_ref[0, 0:N, :] + aggp_ref[1, 0:N, :]
    h1 = jnp.maximum(agg + z1_ref[...], 0.0)
    y_ref[0:N, :] = jnp.dot(h1, wrel_ref[...], preferred_element_type=jnp.float32)
    y_ref[N:N_PAD, :] = jnp.zeros((N_PAD - N, H), jnp.float32)
    z_ref[...] = (
        jnp.dot(h1, wroot_ref[...], preferred_element_type=jnp.float32) + b_ref[...]
    )


def _tc3_body(aggp_ref, z2_ref, wc_ref, bc_ref, out_ref):
    h2 = jnp.maximum(aggp_ref[0, 0:N, :] + aggp_ref[1, 0:N, :] + z2_ref[...], 0.0)
    pooled = jnp.sum(h2, axis=0, keepdims=True) * (1.0 / N)
    out_ref[...] = (
        jnp.dot(pooled, wc_ref[...], preferred_element_type=jnp.float32) + bc_ref[...]
    )


def _make_sc_scatter(nc, ns, k_per_tile):
    nw = nc * ns
    rows_per_tile = N_AGG // ns

    mesh = plsc.VectorSubcoreMesh(core_axis_name="c", subcore_axis_name="s")

    @functools.partial(
        pl.kernel,
        mesh=mesh,
        out_type=jax.ShapeDtypeStruct((2, N_AGG, H), jnp.float32),
        scratch_types=[
            pltpu.VMEM((k_per_tile, CHUNK), jnp.int32),
            pltpu.VMEM((k_per_tile, CHUNK), jnp.int32),
            pltpu.VMEM((CHUNK, H), jnp.float32),
            pltpu.VMEM_SHARED((N_AGG, H), jnp.float32),
            pltpu.VMEM_SHARED((N_PAD, H), jnp.float32),
            pltpu.SemaphoreType.DMA,
        ],
        compiler_params=pltpu.CompilerParams(use_tc_tiling_on_sc=False),
    )
    def sc_scatter(y_hbm, src_hbm, dst_hbm, zeros_hbm, out_hbm,
                   src_v, dst_v, rows_v, agg_sh, y_sh, sem0):
        c = lax.axis_index("c")
        s = lax.axis_index("s")
        w = s * nc + c

        sl = pl.ds(s * rows_per_tile, rows_per_tile)
        pltpu.sync_copy(zeros_hbm, agg_sh.at[sl])
        pltpu.sync_copy(y_hbm.at[sl], y_sh.at[sl])
        pltpu.sync_copy(src_hbm.at[w], src_v)
        pltpu.sync_copy(dst_hbm.at[w], dst_v)
        plsc.subcore_barrier()

        def step(j, carry):
            pltpu.async_copy(y_sh.at[src_v.at[j]], rows_v, sem0).wait()
            pltpu.sync_copy(rows_v, agg_sh.at[dst_v.at[j]], add=True)
            return carry

        lax.fori_loop(0, k_per_tile, step, 0)
        plsc.subcore_barrier()

        pltpu.sync_copy(agg_sh.at[sl], out_hbm.at[c].at[sl])

    return sc_scatter


def kernel(x, edge_index, W1_rel, b1, W1_root, W2_rel, b2, W2_root, Wc, bc):
    info = plsc.get_sparse_core_info()
    nc, ns = info.num_cores, info.num_subcores
    nw = nc * ns

    k_per_tile = -(-E // (nw * CHUNK))
    k_per_tile = -(-k_per_tile // 8) * 8
    e_pad = nw * k_per_tile * CHUNK

    src = edge_index[0]
    dst = edge_index[1]
    src_p = jnp.concatenate(
        [src, jnp.full((e_pad - E,), N, jnp.int32)]).reshape(nw, k_per_tile, CHUNK)
    dst_p = jnp.concatenate(
        [dst, jnp.zeros((e_pad - E,), jnp.int32)]).reshape(nw, k_per_tile, CHUNK)
    zeros_tile = jnp.zeros((N_AGG // ns, H), jnp.float32)

    sc_scatter = _make_sc_scatter(nc, ns, k_per_tile)

    tc1 = pl.pallas_call(
        _tc1_body,
        out_shape=[
            jax.ShapeDtypeStruct((N_PAD, H), jnp.float32),
            jax.ShapeDtypeStruct((N, H), jnp.float32),
        ],
    )
    y1, z1 = tc1(x, W1_rel, W1_root, b1.reshape(1, H))

    agg1 = sc_scatter(y1, src_p, dst_p, zeros_tile)

    tc2 = pl.pallas_call(
        _tc2_body,
        out_shape=[
            jax.ShapeDtypeStruct((N_PAD, H), jnp.float32),
            jax.ShapeDtypeStruct((N, H), jnp.float32),
        ],
    )
    y2, z2 = tc2(agg1, z1, W2_rel, W2_root, b2.reshape(1, H))

    agg2 = sc_scatter(y2, src_p, dst_p, zeros_tile)

    tc3 = pl.pallas_call(
        _tc3_body,
        out_shape=jax.ShapeDtypeStruct((1, 2), jnp.float32),
    )
    out = tc3(agg2, z2, Wc, bc.reshape(1, 2))
    return out.reshape(2)

# --- scband reference (transcript-rebuilt; emitter-appended) ---
"""Pipeline reference for scband-log-gd-5377299054915 (READ-ONLY COPY).

The authoritative reference and input builder live on the scoring server;
editing this copy changes nothing except your own understanding.
"""

import jax, jax.numpy as jnp
import numpy as np

N = 10000
E = 320000
D = 128
H = 64
NUM_CLASSES = 2

def setup_inputs(seed: int = 0) -> dict:
    key = jax.random.key(seed)
    ks = jax.random.split(key, 10)
    x = jax.random.normal(ks[0], (N, D), dtype=jnp.float32)
    edge_index = jax.random.randint(ks[1], (2, E), 0, N, dtype=jnp.int32)
    s = 0.05
    W1_rel = jax.random.normal(ks[2], (D, H), dtype=jnp.float32) * s
    b1 = jnp.zeros((H,), dtype=jnp.float32)
    W1_root = jax.random.normal(ks[3], (D, H), dtype=jnp.float32) * s
    W2_rel = jax.random.normal(ks[4], (H, H), dtype=jnp.float32) * s
    b2 = jnp.zeros((H,), dtype=jnp.float32)
    W2_root = jax.random.normal(ks[5], (H, H), dtype=jnp.float32) * s
    Wc = jax.random.normal(ks[6], (H, NUM_CLASSES), dtype=jnp.float32) * s
    bc = jnp.zeros((NUM_CLASSES,), dtype=jnp.float32)
    return {"x": x, "edge_index": edge_index, "W1_rel": W1_rel, "b1": b1,
            "W1_root": W1_root, "W2_rel": W2_rel, "b2": b2, "W2_root": W2_root,
            "Wc": Wc, "bc": bc}

def reference(x, edge_index, W1_rel, b1, W1_root, W2_rel, b2, W2_root, Wc, bc):
    # GraphConv (PyG semantics): out = lin_rel(sum_{j in N(i)} x_j) + lin_root(x_i)
    src = edge_index[0]
    dst = edge_index[1]

    def graph_conv(h, Wrel, brel, Wroot):
        msgs = jnp.take(h, src, axis=0)  # gather source node features per edge
        agg = jax.ops.segment_sum(msgs, dst, num_segments=h.shape[0])  # scatter-add to dst
        return agg @ Wrel + brel + h @ Wroot

    h = jax.nn.relu(graph_conv(x, W1_rel, b1, W1_root))
    h = jax.nn.relu(graph_conv(h, W2_rel, b2, W2_root))
    pooled = h.mean(axis=0)  # graph-level mean pooling over nodes
    return pooled @ Wc + bc  # classifier -> shape [2]

if __name__ == "__main__":
    import jax
    _d = setup_inputs()
    print(jax.jit(kernel)(*tuple(_d.values())))

</pallas_src>

<mosaic_0001>
#map = affine_map<(d0, d1) -> (0, 0)>
#map1 = affine_map<(d0, d1) -> (0, 0, 0)>
module attributes {stable_mosaic.version = 14 : i64} {
  func.func @sc_scatter(%arg0: i32, %arg1: i32, %arg2: memref<10240x64xf32, #tpu.memory_space<hbm>>, %arg3: memref<32x40x256xi32, #tpu.memory_space<hbm>>, %arg4: memref<32x40x256xi32, #tpu.memory_space<hbm>>, %arg5: memref<640x64xf32, #tpu.memory_space<hbm>>, %arg6: memref<2x10240x64xf32, #tpu.memory_space<hbm>>, %arg7: memref<40x256xi32, #tpu.memory_space<vmem>>, %arg8: memref<40x256xi32, #tpu.memory_space<vmem>>, %arg9: memref<256x64xf32, #tpu.memory_space<vmem>>, %arg10: memref<10240x64xf32, #tpu.memory_space<vmem_shared>>, %arg11: memref<10240x64xf32, #tpu.memory_space<vmem_shared>>, %arg12: memref<!tpu.dma_semaphore, #tpu.memory_space<semaphore_mem>>) attributes {dimension_semantics = [#tpu.dimension_semantics<core_parallel>, #tpu.dimension_semantics<subcore_parallel>], iteration_bounds = array<i64: 2, 16>, scalar_prefetch = 0 : i64, scratch_operands = 6 : i64, tpu.core_type = #tpu.core_type<sc_vector_subcore>, window_params = [{transform_indices = #map}, {transform_indices = #map1}, {transform_indices = #map1}, {transform_indices = #map}, {transform_indices = #map1}]} {
    %mul3A = arith.constant 2 : i32
    %mul3A_0 = arith.muli %arg1, %mul3A : i32
    %add3A = arith.addi %mul3A_0, %arg0 : i32
    %mul3A_1 = arith.constant 640 : i32
    %mul3A_2 = arith.muli %arg1, %mul3A_1 : i32
    "tpu.region"() ({
      %run_scoped3A = tpu.sem_alloc : memref<!tpu.dma_semaphore, #tpu.memory_space<semaphore_mem>>
      %dma_start3A = arith.constant 0 : i32
      %dma_start3A_9 = tpu.memref_slice %arg10[%mul3A_2, %dma_start3A] : memref<10240x64xf32, #tpu.memory_space<vmem_shared>> -> memref<640x64xf32, #tpu.memory_space<vmem_shared>>
      tpu.enqueue_dma source(%arg5 : memref<640x64xf32, #tpu.memory_space<hbm>>) target(%dma_start3A_9 : memref<640x64xf32, #tpu.memory_space<vmem_shared>>) target_semaphore(%run_scoped3A : memref<!tpu.dma_semaphore, #tpu.memory_space<semaphore_mem>>)
      %dma_wait3A = arith.constant 0 : i32
      %dma_wait3A_10 = tpu.memref_slice %arg10[%mul3A_2, %dma_wait3A] : memref<10240x64xf32, #tpu.memory_space<vmem_shared>> -> memref<640x64xf32, #tpu.memory_space<vmem_shared>>
      tpu.wait_dma2 semaphore(%run_scoped3A : memref<!tpu.dma_semaphore, #tpu.memory_space<semaphore_mem>>) src(%arg5 : memref<640x64xf32, #tpu.memory_space<hbm>>) dst(%dma_wait3A_10 : memref<640x64xf32, #tpu.memory_space<vmem_shared>>)
      tpu.yield
    }) : () -> ()
    "tpu.region"() ({
      %run_scoped3A = tpu.sem_alloc : memref<!tpu.dma_semaphore, #tpu.memory_space<semaphore_mem>>
      %dma_start3A = arith.constant 0 : i32
      %dma_start3A_9 = tpu.memref_slice %arg11[%mul3A_2, %dma_start3A] : memref<10240x64xf32, #tpu.memory_space<vmem_shared>> -> memref<640x64xf32, #tpu.memory_space<vmem_shared>>
      %dma_start3A_10 = arith.constant 0 : i32
      %dma_start3A_11 = tpu.memref_slice %arg2[%mul3A_2, %dma_start3A_10] : memref<10240x64xf32, #tpu.memory_space<hbm>> -> memref<640x64xf32, #tpu.memory_space<hbm>>
      tpu.enqueue_dma source(%dma_start3A_11 : memref<640x64xf32, #tpu.memory_space<hbm>>) target(%dma_start3A_9 : memref<640x64xf32, #tpu.memory_space<vmem_shared>>) target_semaphore(%run_scoped3A : memref<!tpu.dma_semaphore, #tpu.memory_space<semaphore_mem>>)
      %dma_wait3A = arith.constant 0 : i32
      %dma_wait3A_12 = tpu.memref_slice %arg11[%mul3A_2, %dma_wait3A] : memref<10240x64xf32, #tpu.memory_space<vmem_shared>> -> memref<640x64xf32, #tpu.memory_space<vmem_shared>>
      %dma_wait3A_13 = arith.constant 0 : i32
      %dma_wait3A_14 = tpu.memref_slice %arg2[%mul3A_2, %dma_wait3A_13] : memref<10240x64xf32, #tpu.memory_space<hbm>> -> memref<640x64xf32, #tpu.memory_space<hbm>>
      tpu.wait_dma2 semaphore(%run_scoped3A : memref<!tpu.dma_semaphore, #tpu.memory_space<semaphore_mem>>) src(%dma_wait3A_14 : memref<640x64xf32, #tpu.memory_space<hbm>>) dst(%dma_wait3A_12 : memref<640x64xf32, #tpu.memory_space<vmem_shared>>)
      tpu.yield
    }) : () -> ()
    "tpu.region"() ({
      %run_scoped3A = tpu.sem_alloc : memref<!tpu.dma_semaphore, #tpu.memory_space<semaphore_mem>>
      %dma_start3A = arith.constant 0 : i32
      %dma_start3A_9 = arith.constant 0 : i32
      %dma_start3A_10 = tpu.memref_slice %arg3[%add3A, %dma_start3A, %dma_start3A_9] : memref<32x40x256xi32, #tpu.memory_space<hbm>> -> memref<1x40x256xi32, #tpu.memory_space<hbm>>
      %dma_start3A_11 = tpu.memref_squeeze %dma_start3A_10 : memref<1x40x256xi32, #tpu.memory_space<hbm>> -> memref<40x256xi32, #tpu.memory_space<hbm>>
      %dma_start3A_12 = arith.constant 0 : i32
      %dma_start3A_13 = arith.constant 0 : i32
      %dma_start3A_14 = tpu.memref_slice %arg3[%add3A, %dma_start3A_12, %dma_start3A_13] : memref<32x40x256xi32, #tpu.memory_space<hbm>> -> memref<1x40x256xi32, #tpu.memory_space<hbm>>
      %dma_start3A_15 = tpu.memref_squeeze %dma_start3A_14 : memref<1x40x256xi32, #tpu.memory_space<hbm>> -> memref<40x256xi32, #tpu.memory_space<hbm>>
      tpu.enqueue_dma source(%dma_start3A_15 : memref<40x256xi32, #tpu.memory_space<hbm>>) target(%arg7 : memref<40x256xi32, #tpu.memory_space<vmem>>) target_semaphore(%run_scoped3A : memref<!tpu.dma_semaphore, #tpu.memory_space<semaphore_mem>>)
      %dma_wait3A = arith.constant 0 : i32
      %dma_wait3A_16 = arith.constant 0 : i32
      %dma_wait3A_17 = tpu.memref_slice %arg3[%add3A, %dma_wait3A, %dma_wait3A_16] : memref<32x40x256xi32, #tpu.memory_space<hbm>> -> memref<1x40x256xi32, #tpu.memory_space<hbm>>
      %dma_wait3A_18 = tpu.memref_squeeze %dma_wait3A_17 : memref<1x40x256xi32, #tpu.memory_space<hbm>> -> memref<40x256xi32, #tpu.memory_space<hbm>>
      %dma_wait3A_19 = arith.constant 0 : i32
      %dma_wait3A_20 = arith.constant 0 : i32
      %dma_wait3A_21 = tpu.memref_slice %arg3[%add3A, %dma_wait3A_19, %dma_wait3A_20] : memref<32x40x256xi32, #tpu.memory_space<hbm>> -> memref<1x40x256xi32, #tpu.memory_space<hbm>>
      %dma_wait3A_22 = tpu.memref_squeeze %dma_wait3A_21 : memref<1x40x256xi32, #tpu.memory_space<hbm>> -> memref<40x256xi32, #tpu.memory_space<hbm>>
      tpu.wait_dma2 semaphore(%run_scoped3A : memref<!tpu.dma_semaphore, #tpu.memory_space<semaphore_mem>>) src(%dma_wait3A_22 : memref<40x256xi32, #tpu.memory_space<hbm>>) dst(%arg7 : memref<40x256xi32, #tpu.memory_space<vmem>>)
      tpu.yield
    }) : () -> ()
    "tpu.region"() ({
      %run_scoped3A = tpu.sem_alloc : memref<!tpu.dma_semaphore, #tpu.memory_space<semaphore_mem>>
      %dma_start3A = arith.constant 0 : i32
      %dma_start3A_9 = arith.constant 0 : i32
      %dma_start3A_10 = tpu.memref_slice %arg4[%add3A, %dma_start3A, %dma_start3A_9] : memref<32x40x256xi32, #tpu.memory_space<hbm>> -> memref<1x40x256xi32, #tpu.memory_space<hbm>>
      %dma_start3A_11 = tpu.memref_squeeze %dma_start3A_10 : memref<1x40x256xi32, #tpu.memory_space<hbm>> -> memref<40x256xi32, #tpu.memory_space<hbm>>
      %dma_start3A_12 = arith.constant 0 : i32
      %dma_start3A_13 = arith.constant 0 : i32
      %dma_start3A_14 = tpu.memref_slice %arg4[%add3A, %dma_start3A_12, %dma_start3A_13] : memref<32x40x256xi32, #tpu.memory_space<hbm>> -> memref<1x40x256xi32, #tpu.memory_space<hbm>>
      %dma_start3A_15 = tpu.memref_squeeze %dma_start3A_14 : memref<1x40x256xi32, #tpu.memory_space<hbm>> -> memref<40x256xi32, #tpu.memory_space<hbm>>
      tpu.enqueue_dma source(%dma_start3A_15 : memref<40x256xi32, #tpu.memory_space<hbm>>) target(%arg8 : memref<40x256xi32, #tpu.memory_space<vmem>>) target_semaphore(%run_scoped3A : memref<!tpu.dma_semaphore, #tpu.memory_space<semaphore_mem>>)
      %dma_wait3A = arith.constant 0 : i32
      %dma_wait3A_16 = arith.constant 0 : i32
      %dma_wait3A_17 = tpu.memref_slice %arg4[%add3A, %dma_wait3A, %dma_wait3A_16] : memref<32x40x256xi32, #tpu.memory_space<hbm>> -> memref<1x40x256xi32, #tpu.memory_space<hbm>>
      %dma_wait3A_18 = tpu.memref_squeeze %dma_wait3A_17 : memref<1x40x256xi32, #tpu.memory_space<hbm>> -> memref<40x256xi32, #tpu.memory_space<hbm>>
      %dma_wait3A_19 = arith.constant 0 : i32
      %dma_wait3A_20 = arith.constant 0 : i32
      %dma_wait3A_21 = tpu.memref_slice %arg4[%add3A, %dma_wait3A_19, %dma_wait3A_20] : memref<32x40x256xi32, #tpu.memory_space<hbm>> -> memref<1x40x256xi32, #tpu.memory_space<hbm>>
      %dma_wait3A_22 = tpu.memref_squeeze %dma_wait3A_21 : memref<1x40x256xi32, #tpu.memory_space<hbm>> -> memref<40x256xi32, #tpu.memory_space<hbm>>
      tpu.wait_dma2 semaphore(%run_scoped3A : memref<!tpu.dma_semaphore, #tpu.memory_space<semaphore_mem>>) src(%dma_wait3A_22 : memref<40x256xi32, #tpu.memory_space<hbm>>) dst(%arg8 : memref<40x256xi32, #tpu.memory_space<vmem>>)
      tpu.yield
    }) : () -> ()
    %barrier3A = arith.constant 0 : index
    tpu.barrier barrier_id(%barrier3A)
    %scan3A = arith.constant 0 : i32
    %scan3A_3 = arith.constant 0 : i32
    %scan3A_4 = arith.constant 40 : i32
    %scan3A_5 = arith.addi %scan3A_3, %scan3A_4 : i32
    %scan3A_6 = arith.constant 1 : i32
    scf.for %scan3A_9 = %scan3A_3 to %scan3A_5 step %scan3A_6  : i32 {
      %dma_start3A = arith.constant 0 : i32
      %dma_start3A_10 = tpu.memref_slice %arg7[%scan3A_9, %dma_start3A] : memref<40x256xi32, #tpu.memory_space<vmem>> -> memref<1x256xi32, #tpu.memory_space<vmem>>
      %dma_start3A_11 = tpu.memref_squeeze %dma_start3A_10 : memref<1x256xi32, #tpu.memory_space<vmem>> -> memref<256xi32, #tpu.memory_space<vmem>>
      %dma_start3A_12 = arith.constant 0 : i32
      %dma_start3A_13 = arith.constant 0 : i32
      %dma_start3A_14 = tpu.memref_slice %arg11[%dma_start3A_12, %dma_start3A_13] : memref<10240x64xf32, #tpu.memory_space<vmem_shared>> -> memref<10240x64xf32, #tpu.memory_space<vmem_shared>>
      tpu.enqueue_indirect_dma source(%dma_start3A_14 : memref<10240x64xf32, #tpu.memory_space<vmem_shared>>) target(%arg9 : memref<256x64xf32, #tpu.memory_space<vmem>>) offsets(%dma_start3A_11 : memref<256xi32, #tpu.memory_space<vmem>>) semaphore(%arg12 : memref<!tpu.dma_semaphore, #tpu.memory_space<semaphore_mem>>)
      %dma_wait3A = arith.constant 0 : i32
      %dma_wait3A_15 = tpu.memref_slice %arg7[%scan3A_9, %dma_wait3A] : memref<40x256xi32, #tpu.memory_space<vmem>> -> memref<1x256xi32, #tpu.memory_space<vmem>>
      %dma_wait3A_16 = tpu.memref_squeeze %dma_wait3A_15 : memref<1x256xi32, #tpu.memory_space<vmem>> -> memref<256xi32, #tpu.memory_space<vmem>>
      %dma_wait3A_17 = arith.constant 0 : i32
      %dma_wait3A_18 = arith.constant 0 : i32
      %dma_wait3A_19 = tpu.memref_slice %arg11[%dma_wait3A_17, %dma_wait3A_18] : memref<10240x64xf32, #tpu.memory_space<vmem_shared>> -> memref<10240x64xf32, #tpu.memory_space<vmem_shared>>
      tpu.wait_indirect_dma semaphore(%arg12 : memref<!tpu.dma_semaphore, #tpu.memory_space<semaphore_mem>>) src(%dma_wait3A_19 : memref<10240x64xf32, #tpu.memory_space<vmem_shared>>) dst(%arg9 : memref<256x64xf32, #tpu.memory_space<vmem>>)
      "tpu.region"() ({
        %run_scoped3A = tpu.sem_alloc : memref<!tpu.dma_semaphore, #tpu.memory_space<semaphore_mem>>
        %dma_start3A_20 = arith.constant 0 : i32
        %dma_start3A_21 = tpu.memref_slice %arg8[%scan3A_9, %dma_start3A_20] : memref<40x256xi32, #tpu.memory_space<vmem>> -> memref<1x256xi32, #tpu.memory_space<vmem>>
        %dma_start3A_22 = tpu.memref_squeeze %dma_start3A_21 : memref<1x256xi32, #tpu.memory_space<vmem>> -> memref<256xi32, #tpu.memory_space<vmem>>
        %dma_start3A_23 = arith.constant 0 : i32
        %dma_start3A_24 = arith.constant 0 : i32
        %dma_start3A_25 = tpu.memref_slice %arg10[%dma_start3A_23, %dma_start3A_24] : memref<10240x64xf32, #tpu.memory_space<vmem_shared>> -> memref<10240x64xf32, #tpu.memory_space<vmem_shared>>
        tpu.enqueue_indirect_dma source(%arg9 : memref<256x64xf32, #tpu.memory_space<vmem>>) target(%dma_start3A_25 : memref<10240x64xf32, #tpu.memory_space<vmem_shared>>) offsets(%dma_start3A_22 : memref<256xi32, #tpu.memory_space<vmem>>) semaphore(%run_scoped3A : memref<!tpu.dma_semaphore, #tpu.memory_space<semaphore_mem>>) {add = true}
        %dma_wait3A_26 = arith.constant 0 : i32
        %dma_wait3A_27 = tpu.memref_slice %arg8[%scan3A_9, %dma_wait3A_26] : memref<40x256xi32, #tpu.memory_space<vmem>> -> memref<1x256xi32, #tpu.memory_space<vmem>>
        %dma_wait3A_28 = tpu.memref_squeeze %dma_wait3A_27 : memref<1x256xi32, #tpu.memory_space<vmem>> -> memref<256xi32, #tpu.memory_space<vmem>>
        %dma_wait3A_29 = arith.constant 0 : i32
        %dma_wait3A_30 = arith.constant 0 : i32
        %dma_wait3A_31 = tpu.memref_slice %arg10[%dma_wait3A_29, %dma_wait3A_30] : memref<10240x64xf32, #tpu.memory_space<vmem_shared>> -> memref<10240x64xf32, #tpu.memory_space<vmem_shared>>
        tpu.wait_indirect_dma semaphore(%run_scoped3A : memref<!tpu.dma_semaphore, #tpu.memory_space<semaphore_mem>>) src(%arg9 : memref<256x64xf32, #tpu.memory_space<vmem>>) dst(%dma_wait3A_31 : memref<10240x64xf32, #tpu.memory_space<vmem_shared>>)
        tpu.yield
      }) : () -> ()
    }
    %scan3A_7 = arith.constant 40 : i32
    %barrier3A_8 = arith.constant 0 : index
    tpu.barrier barrier_id(%barrier3A_8)
    "tpu.region"() ({
      %run_scoped3A = tpu.sem_alloc : memref<!tpu.dma_semaphore, #tpu.memory_space<semaphore_mem>>
      %dma_start3A = arith.constant 0 : i32
      %dma_start3A_9 = arith.constant 0 : i32
      %dma_start3A_10 = tpu.memref_slice %arg6[%arg0, %dma_start3A, %dma_start3A_9] : memref<2x10240x64xf32, #tpu.memory_space<hbm>> -> memref<1x10240x64xf32, #tpu.memory_space<hbm>>
      %dma_start3A_11 = tpu.memref_squeeze %dma_start3A_10 : memref<1x10240x64xf32, #tpu.memory_space<hbm>> -> memref<10240x64xf32, #tpu.memory_space<hbm>>
      %dma_start3A_12 = arith.constant 0 : i32
      %dma_start3A_13 = tpu.memref_slice %dma_start3A_11[%mul3A_2, %dma_start3A_12] : memref<10240x64xf32, #tpu.memory_space<hbm>> -> memref<640x64xf32, #tpu.memory_space<hbm>>
      %dma_start3A_14 = arith.constant 0 : i32
      %dma_start3A_15 = tpu.memref_slice %arg10[%mul3A_2, %dma_start3A_14] : memref<10240x64xf32, #tpu.memory_space<vmem_shared>> -> memref<640x64xf32, #tpu.memory_space<vmem_shared>>
      tpu.enqueue_dma source(%dma_start3A_15 : memref<640x64xf32, #tpu.memory_space<vmem_shared>>) target(%dma_start3A_13 : memref<640x64xf32, #tpu.memory_space<hbm>>) target_semaphore(%run_scoped3A : memref<!tpu.dma_semaphore, #tpu.memory_space<semaphore_mem>>)
      %dma_wait3A = arith.constant 0 : i32
      %dma_wait3A_16 = arith.constant 0 : i32
      %dma_wait3A_17 = tpu.memref_slice %arg6[%arg0, %dma_wait3A, %dma_wait3A_16] : memref<2x10240x64xf32, #tpu.memory_space<hbm>> -> memref<1x10240x64xf32, #tpu.memory_space<hbm>>
      %dma_wait3A_18 = tpu.memref_squeeze %dma_wait3A_17 : memref<1x10240x64xf32, #tpu.memory_space<hbm>> -> memref<10240x64xf32, #tpu.memory_space<hbm>>
      %dma_wait3A_19 = arith.constant 0 : i32
      %dma_wait3A_20 = tpu.memref_slice %dma_wait3A_18[%mul3A_2, %dma_wait3A_19] : memref<10240x64xf32, #tpu.memory_space<hbm>> -> memref<640x64xf32, #tpu.memory_space<hbm>>
      %dma_wait3A_21 = arith.constant 0 : i32
      %dma_wait3A_22 = tpu.memref_slice %arg10[%mul3A_2, %dma_wait3A_21] : memref<10240x64xf32, #tpu.memory_space<vmem_shared>> -> memref<640x64xf32, #tpu.memory_space<vmem_shared>>
      tpu.wait_dma2 semaphore(%run_scoped3A : memref<!tpu.dma_semaphore, #tpu.memory_space<semaphore_mem>>) src(%dma_wait3A_22 : memref<640x64xf32, #tpu.memory_space<vmem_shared>>) dst(%dma_wait3A_20 : memref<640x64xf32, #tpu.memory_space<hbm>>)
      tpu.yield
    }) : () -> ()
    return
  }
}

#map = affine_map<(d0, d1) -> (0, 0)>
#map1 = affine_map<(d0, d1) -> (0, 0, 0)>
module attributes {stable_mosaic.version = 14 : i64} {
  func.func @sc_scatter(%arg0: i32, %arg1: i32, %arg2: memref<10240x64xf32, #tpu.memory_space<hbm>>, %arg3: memref<32x40x256xi32, #tpu.memory_space<hbm>>, %arg4: memref<32x40x256xi32, #tpu.memory_space<hbm>>, %arg5: memref<640x64xf32, #tpu.memory_space<hbm>>, %arg6: memref<2x10240x64xf32, #tpu.memory_space<hbm>>, %arg7: memref<40x256xi32, #tpu.memory_space<vmem>>, %arg8: memref<40x256xi32, #tpu.memory_space<vmem>>, %arg9: memref<256x64xf32, #tpu.memory_space<vmem>>, %arg10: memref<10240x64xf32, #tpu.memory_space<vmem_shared>>, %arg11: memref<10240x64xf32, #tpu.memory_space<vmem_shared>>, %arg12: memref<!tpu.dma_semaphore, #tpu.memory_space<semaphore_mem>>) attributes {dimension_semantics = [#tpu.dimension_semantics<core_parallel>, #tpu.dimension_semantics<subcore_parallel>], iteration_bounds = array<i64: 2, 16>, scalar_prefetch = 0 : i64, scratch_operands = 6 : i64, tpu.core_type = #tpu.core_type<sc_vector_subcore>, window_params = [{transform_indices = #map}, {transform_indices = #map1}, {transform_indices = #map1}, {transform_indices = #map}, {transform_indices = #map1}]} {
    %mul3A = arith.constant 2 : i32
    %mul3A_0 = arith.muli %arg1, %mul3A : i32
    %add3A = arith.addi %mul3A_0, %arg0 : i32
    %mul3A_1 = arith.constant 640 : i32
    %mul3A_2 = arith.muli %arg1, %mul3A_1 : i32
    "tpu.region"() ({
      %run_scoped3A = tpu.sem_alloc : memref<!tpu.dma_semaphore, #tpu.memory_space<semaphore_mem>>
      %dma_start3A = arith.constant 0 : i32
      %dma_start3A_9 = tpu.memref_slice %arg10[%mul3A_2, %dma_start3A] : memref<10240x64xf32, #tpu.memory_space<vmem_shared>> -> memref<640x64xf32, #tpu.memory_space<vmem_shared>>
      tpu.enqueue_dma source(%arg5 : memref<640x64xf32, #tpu.memory_space<hbm>>) target(%dma_start3A_9 : memref<640x64xf32, #tpu.memory_space<vmem_shared>>) target_semaphore(%run_scoped3A : memref<!tpu.dma_semaphore, #tpu.memory_space<semaphore_mem>>)
      %dma_wait3A = arith.constant 0 : i32
      %dma_wait3A_10 = tpu.memref_slice %arg10[%mul3A_2, %dma_wait3A] : memref<10240x64xf32, #tpu.memory_space<vmem_shared>> -> memref<640x64xf32, #tpu.memory_space<vmem_shared>>
      tpu.wait_dma2 semaphore(%run_scoped3A : memref<!tpu.dma_semaphore, #tpu.memory_space<semaphore_mem>>) src(%arg5 : memref<640x64xf32, #tpu.memory_space<hbm>>) dst(%dma_wait3A_10 : memref<640x64xf32, #tpu.memory_space<vmem_shared>>)
      tpu.yield
    }) : () -> ()
    "tpu.region"() ({
      %run_scoped3A = tpu.sem_alloc : memref<!tpu.dma_semaphore, #tpu.memory_space<semaphore_mem>>
      %dma_start3A = arith.constant 0 : i32
      %dma_start3A_9 = tpu.memref_slice %arg11[%mul3A_2, %dma_start3A] : memref<10240x64xf32, #tpu.memory_space<vmem_shared>> -> memref<640x64xf32, #tpu.memory_space<vmem_shared>>
      %dma_start3A_10 = arith.constant 0 : i32
      %dma_start3A_11 = tpu.memref_slice %arg2[%mul3A_2, %dma_start3A_10] : memref<10240x64xf32, #tpu.memory_space<hbm>> -> memref<640x64xf32, #tpu.memory_space<hbm>>
      tpu.enqueue_dma source(%dma_start3A_11 : memref<640x64xf32, #tpu.memory_space<hbm>>) target(%dma_start3A_9 : memref<640x64xf32, #tpu.memory_space<vmem_shared>>) target_semaphore(%run_scoped3A : memref<!tpu.dma_semaphore, #tpu.memory_space<semaphore_mem>>)
      %dma_wait3A = arith.constant 0 : i32
      %dma_wait3A_12 = tpu.memref_slice %arg11[%mul3A_2, %dma_wait3A] : memref<10240x64xf32, #tpu.memory_space<vmem_shared>> -> memref<640x64xf32, #tpu.memory_space<vmem_shared>>
      %dma_wait3A_13 = arith.constant 0 : i32
      %dma_wait3A_14 = tpu.memref_slice %arg2[%mul3A_2, %dma_wait3A_13] : memref<10240x64xf32, #tpu.memory_space<hbm>> -> memref<640x64xf32, #tpu.memory_space<hbm>>
      tpu.wait_dma2 semaphore(%run_scoped3A : memref<!tpu.dma_semaphore, #tpu.memory_space<semaphore_mem>>) src(%dma_wait3A_14 : memref<640x64xf32, #tpu.memory_space<hbm>>) dst(%dma_wait3A_12 : memref<640x64xf32, #tpu.memory_space<vmem_shared>>)
      tpu.yield
    }) : () -> ()
    "tpu.region"() ({
      %run_scoped3A = tpu.sem_alloc : memref<!tpu.dma_semaphore, #tpu.memory_space<semaphore_mem>>
      %dma_start3A = arith.constant 0 : i32
      %dma_start3A_9 = arith.constant 0 : i32
      %dma_start3A_10 = tpu.memref_slice %arg3[%add3A, %dma_start3A, %dma_start3A_9] : memref<32x40x256xi32, #tpu.memory_space<hbm>> -> memref<1x40x256xi32, #tpu.memory_space<hbm>>
      %dma_start3A_11 = tpu.memref_squeeze %dma_start3A_10 : memref<1x40x256xi32, #tpu.memory_space<hbm>> -> memref<40x256xi32, #tpu.memory_space<hbm>>
      %dma_start3A_12 = arith.constant 0 : i32
      %dma_start3A_13 = arith.constant 0 : i32
      %dma_start3A_14 = tpu.memref_slice %arg3[%add3A, %dma_start3A_12, %dma_start3A_13] : memref<32x40x256xi32, #tpu.memory_space<hbm>> -> memref<1x40x256xi32, #tpu.memory_space<hbm>>
      %dma_start3A_15 = tpu.memref_squeeze %dma_start3A_14 : memref<1x40x256xi32, #tpu.memory_space<hbm>> -> memref<40x256xi32, #tpu.memory_space<hbm>>
      tpu.enqueue_dma source(%dma_start3A_15 : memref<40x256xi32, #tpu.memory_space<hbm>>) target(%arg7 : memref<40x256xi32, #tpu.memory_space<vmem>>) target_semaphore(%run_scoped3A : memref<!tpu.dma_semaphore, #tpu.memory_space<semaphore_mem>>)
      %dma_wait3A = arith.constant 0 : i32
      %dma_wait3A_16 = arith.constant 0 : i32
      %dma_wait3A_17 = tpu.memref_slice %arg3[%add3A, %dma_wait3A, %dma_wait3A_16] : memref<32x40x256xi32, #tpu.memory_space<hbm>> -> memref<1x40x256xi32, #tpu.memory_space<hbm>>
      %dma_wait3A_18 = tpu.memref_squeeze %dma_wait3A_17 : memref<1x40x256xi32, #tpu.memory_space<hbm>> -> memref<40x256xi32, #tpu.memory_space<hbm>>
      %dma_wait3A_19 = arith.constant 0 : i32
      %dma_wait3A_20 = arith.constant 0 : i32
      %dma_wait3A_21 = tpu.memref_slice %arg3[%add3A, %dma_wait3A_19, %dma_wait3A_20] : memref<32x40x256xi32, #tpu.memory_space<hbm>> -> memref<1x40x256xi32, #tpu.memory_space<hbm>>
      %dma_wait3A_22 = tpu.memref_squeeze %dma_wait3A_21 : memref<1x40x256xi32, #tpu.memory_space<hbm>> -> memref<40x256xi32, #tpu.memory_space<hbm>>
      tpu.wait_dma2 semaphore(%run_scoped3A : memref<!tpu.dma_semaphore, #tpu.memory_space<semaphore_mem>>) src(%dma_wait3A_22 : memref<40x256xi32, #tpu.memory_space<hbm>>) dst(%arg7 : memref<40x256xi32, #tpu.memory_space<vmem>>)
      tpu.yield
    }) : () -> ()
    "tpu.region"() ({
      %run_scoped3A = tpu.sem_alloc : memref<!tpu.dma_semaphore, #tpu.memory_space<semaphore_mem>>
      %dma_start3A = arith.constant 0 : i32
      %dma_start3A_9 = arith.constant 0 : i32
      %dma_start3A_10 = tpu.memref_slice %arg4[%add3A, %dma_start3A, %dma_start3A_9] : memref<32x40x256xi32, #tpu.memory_space<hbm>> -> memref<1x40x256xi32, #tpu.memory_space<hbm>>
      %dma_start3A_11 = tpu.memref_squeeze %dma_start3A_10 : memref<1x40x256xi32, #tpu.memory_space<hbm>> -> memref<40x256xi32, #tpu.memory_space<hbm>>
      %dma_start3A_12 = arith.constant 0 : i32
      %dma_start3A_13 = arith.constant 0 : i32
      %dma_start3A_14 = tpu.memref_slice %arg4[%add3A, %dma_start3A_12, %dma_start3A_13] : memref<32x40x256xi32, #tpu.memory_space<hbm>> -> memref<1x40x256xi32, #tpu.memory_space<hbm>>
      %dma_start3A_15 = tpu.memref_squeeze %dma_start3A_14 : memref<1x40x256xi32, #tpu.memory_space<hbm>> -> memref<40x256xi32, #tpu.memory_space<hbm>>
      tpu.enqueue_dma source(%dma_start3A_15 : memref<40x256xi32, #tpu.memory_space<hbm>>) target(%arg8 : memref<40x256xi32, #tpu.memory_space<vmem>>) target_semaphore(%run_scoped3A : memref<!tpu.dma_semaphore, #tpu.memory_space<semaphore_mem>>)
      %dma_wait3A = arith.constant 0 : i32
      %dma_wait3A_16 = arith.constant 0 : i32
      %dma_wait3A_17 = tpu.memref_slice %arg4[%add3A, %dma_wait3A, %dma_wait3A_16] : memref<32x40x256xi32, #tpu.memory_space<hbm>> -> memref<1x40x256xi32, #tpu.memory_space<hbm>>
      %dma_wait3A_18 = tpu.memref_squeeze %dma_wait3A_17 : memref<1x40x256xi32, #tpu.memory_space<hbm>> -> memref<40x256xi32, #tpu.memory_space<hbm>>
      %dma_wait3A_19 = arith.constant 0 : i32
      %dma_wait3A_20 = arith.constant 0 : i32
      %dma_wait3A_21 = tpu.memref_slice %arg4[%add3A, %dma_wait3A_19, %dma_wait3A_20] : memref<32x40x256xi32, #tpu.memory_space<hbm>> -> memref<1x40x256xi32, #tpu.memory_space<hbm>>
      %dma_wait3A_22 = tpu.memref_squeeze %dma_wait3A_21 : memref<1x40x256xi32, #tpu.memory_space<hbm>> -> memref<40x256xi32, #tpu.memory_space<hbm>>
      tpu.wait_dma2 semaphore(%run_scoped3A : memref<!tpu.dma_semaphore, #tpu.memory_space<semaphore_mem>>) src(%dma_wait3A_22 : memref<40x256xi32, #tpu.memory_space<hbm>>) dst(%arg8 : memref<40x256xi32, #tpu.memory_space<vmem>>)
      tpu.yield
    }) : () -> ()
    %barrier3A = arith.constant 0 : index
    tpu.barrier barrier_id(%barrier3A)
    %scan3A = arith.constant 0 : i32
    %scan3A_3 = arith.constant 0 : i32
    %scan3A_4 = arith.constant 40 : i32
    %scan3A_5 = arith.addi %scan3A_3, %scan3A_4 : i32
    %scan3A_6 = arith.constant 1 : i32
    scf.for %scan3A_9 = %scan3A_3 to %scan3A_5 step %scan3A_6  : i32 {
      %dma_start3A = arith.constant 0 : i32
      %dma_start3A_10 = tpu.memref_slice %arg7[%scan3A_9, %dma_start3A] : memref<40x256xi32, #tpu.memory_space<vmem>> -> memref<1x256xi32, #tpu.memory_space<vmem>>
      %dma_start3A_11 = tpu.memref_squeeze %dma_start3A_10 : memref<1x256xi32, #tpu.memory_space<vmem>> -> memref<256xi32, #tpu.memory_space<vmem>>
      %dma_start3A_12 = arith.constant 0 : i32
      %dma_start3A_13 = arith.constant 0 : i32
      %dma_start3A_14 = tpu.memref_slice %arg11[%dma_start3A_12, %dma_start3A_13] : memref<10240x64xf32, #tpu.memory_space<vmem_shared>> -> memref<10240x64xf32, #tpu.memory_space<vmem_shared>>
      tpu.enqueue_indirect_dma source(%dma_start3A_14 : memref<10240x64xf32, #tpu.memory_space<vmem_shared>>) target(%arg9 : memref<256x64xf32, #tpu.memory_space<vmem>>) offsets(%dma_start3A_11 : memref<256xi32, #tpu.memory_space<vmem>>) semaphore(%arg12 : memref<!tpu.dma_semaphore, #tpu.memory_space<semaphore_mem>>)
      %dma_wait3A = arith.constant 0 : i32
      %dma_wait3A_15 = tpu.memref_slice %arg7[%scan3A_9, %dma_wait3A] : memref<40x256xi32, #tpu.memory_space<vmem>> -> memref<1x256xi32, #tpu.memory_space<vmem>>
      %dma_wait3A_16 = tpu.memref_squeeze %dma_wait3A_15 : memref<1x256xi32, #tpu.memory_space<vmem>> -> memref<256xi32, #tpu.memory_space<vmem>>
      %dma_wait3A_17 = arith.constant 0 : i32
      %dma_wait3A_18 = arith.constant 0 : i32
      %dma_wait3A_19 = tpu.memref_slice %arg11[%dma_wait3A_17, %dma_wait3A_18] : memref<10240x64xf32, #tpu.memory_space<vmem_shared>> -> memref<10240x64xf32, #tpu.memory_space<vmem_shared>>
      tpu.wait_indirect_dma semaphore(%arg12 : memref<!tpu.dma_semaphore, #tpu.memory_space<semaphore_mem>>) src(%dma_wait3A_19 : memref<10240x64xf32, #tpu.memory_space<vmem_shared>>) dst(%arg9 : memref<256x64xf32, #tpu.memory_space<vmem>>)
      "tpu.region"() ({
        %run_scoped3A = tpu.sem_alloc : memref<!tpu.dma_semaphore, #tpu.memory_space<semaphore_mem>>
        %dma_start3A_20 = arith.constant 0 : i32
        %dma_start3A_21 = tpu.memref_slice %arg8[%scan3A_9, %dma_start3A_20] : memref<40x256xi32, #tpu.memory_space<vmem>> -> memref<1x256xi32, #tpu.memory_space<vmem>>
        %dma_start3A_22 = tpu.memref_squeeze %dma_start3A_21 : memref<1x256xi32, #tpu.memory_space<vmem>> -> memref<256xi32, #tpu.memory_space<vmem>>
        %dma_start3A_23 = arith.constant 0 : i32
        %dma_start3A_24 = arith.constant 0 : i32
        %dma_start3A_25 = tpu.memref_slice %arg10[%dma_start3A_23, %dma_start3A_24] : memref<10240x64xf32, #tpu.memory_space<vmem_shared>> -> memref<10240x64xf32, #tpu.memory_space<vmem_shared>>
        tpu.enqueue_indirect_dma source(%arg9 : memref<256x64xf32, #tpu.memory_space<vmem>>) target(%dma_start3A_25 : memref<10240x64xf32, #tpu.memory_space<vmem_shared>>) offsets(%dma_start3A_22 : memref<256xi32, #tpu.memory_space<vmem>>) semaphore(%run_scoped3A : memref<!tpu.dma_semaphore, #tpu.memory_space<semaphore_mem>>) {add = true}
        %dma_wait3A_26 = arith.constant 0 : i32
        %dma_wait3A_27 = tpu.memref_slice %arg8[%scan3A_9, %dma_wait3A_26] : memref<40x256xi32, #tpu.memory_space<vmem>> -> memref<1x256xi32, #tpu.memory_space<vmem>>
        %dma_wait3A_28 = tpu.memref_squeeze %dma_wait3A_27 : memref<1x256xi32, #tpu.memory_space<vmem>> -> memref<256xi32, #tpu.memory_space<vmem>>
        %dma_wait3A_29 = arith.constant 0 : i32
        %dma_wait3A_30 = arith.constant 0 : i32
        %dma_wait3A_31 = tpu.memref_slice %arg10[%dma_wait3A_29, %dma_wait3A_30] : memref<10240x64xf32, #tpu.memory_space<vmem_shared>> -> memref<10240x64xf32, #tpu.memory_space<vmem_shared>>
        tpu.wait_indirect_dma semaphore(%run_scoped3A : memref<!tpu.dma_semaphore, #tpu.memory_space<semaphore_mem>>) src(%arg9 : memref<256x64xf32, #tpu.memory_space<vmem>>) dst(%dma_wait3A_31 : memref<10240x64xf32, #tpu.memory_space<vmem_shared>>)
        tpu.yield
      }) : () -> ()
    }
    %scan3A_7 = arith.constant 40 : i32
    %barrier3A_8 = arith.constant 0 : index
    tpu.barrier barrier_id(%barrier3A_8)
    "tpu.region"() ({
      %run_scoped3A = tpu.sem_alloc : memref<!tpu.dma_semaphore, #tpu.memory_space<semaphore_mem>>
      %dma_start3A = arith.constant 0 : i32
      %dma_start3A_9 = arith.constant 0 : i32
      %dma_start3A_10 = tpu.memref_slice %arg6[%arg0, %dma_start3A, %dma_start3A_9] : memref<2x10240x64xf32, #tpu.memory_space<hbm>> -> memref<1x10240x64xf32, #tpu.memory_space<hbm>>
      %dma_start3A_11 = tpu.memref_squeeze %dma_start3A_10 : memref<1x10240x64xf32, #tpu.memory_space<hbm>> -> memref<10240x64xf32, #tpu.memory_space<hbm>>
      %dma_start3A_12 = arith.constant 0 : i32
      %dma_start3A_13 = tpu.memref_slice %dma_start3A_11[%mul3A_2, %dma_start3A_12] : memref<10240x64xf32, #tpu.memory_space<hbm>> -> memref<640x64xf32, #tpu.memory_space<hbm>>
      %dma_start3A_14 = arith.constant 0 : i32
      %dma_start3A_15 = tpu.memref_slice %arg10[%mul3A_2, %dma_start3A_14] : memref<10240x64xf32, #tpu.memory_space<vmem_shared>> -> memref<640x64xf32, #tpu.memory_space<vmem_shared>>
      tpu.enqueue_dma source(%dma_start3A_15 : memref<640x64xf32, #tpu.memory_space<vmem_shared>>) target(%dma_start3A_13 : memref<640x64xf32, #tpu.memory_space<hbm>>) target_semaphore(%run_scoped3A : memref<!tpu.dma_semaphore, #tpu.memory_space<semaphore_mem>>)
      %dma_wait3A = arith.constant 0 : i32
      %dma_wait3A_16 = arith.constant 0 : i32
      %dma_wait3A_17 = tpu.memref_slice %arg6[%arg0, %dma_wait3A, %dma_wait3A_16] : memref<2x10240x64xf32, #tpu.memory_space<hbm>> -> memref<1x10240x64xf32, #tpu.memory_space<hbm>>
      %dma_wait3A_18 = tpu.memref_squeeze %dma_wait3A_17 : memref<1x10240x64xf32, #tpu.memory_space<hbm>> -> memref<10240x64xf32, #tpu.memory_space<hbm>>
      %dma_wait3A_19 = arith.constant 0 : i32
      %dma_wait3A_20 = tpu.memref_slice %dma_wait3A_18[%mul3A_2, %dma_wait3A_19] : memref<10240x64xf32, #tpu.memory_space<hbm>> -> memref<640x64xf32, #tpu.memory_space<hbm>>
      %dma_wait3A_21 = arith.constant 0 : i32
      %dma_wait3A_22 = tpu.memref_slice %arg10[%mul3A_2, %dma_wait3A_21] : memref<10240x64xf32, #tpu.memory_space<vmem_shared>> -> memref<640x64xf32, #tpu.memory_space<vmem_shared>>
      tpu.wait_dma2 semaphore(%run_scoped3A : memref<!tpu.dma_semaphore, #tpu.memory_space<semaphore_mem>>) src(%dma_wait3A_22 : memref<640x64xf32, #tpu.memory_space<vmem_shared>>) dst(%dma_wait3A_20 : memref<640x64xf32, #tpu.memory_space<hbm>>)
      tpu.yield
    }) : () -> ()
    return
  }
}

module attributes {stable_mosaic.version = 14 : i64} {
  func.func @_tc1_body(%arg0: memref<10000x128xf32, #tpu.memory_space<vmem>>, %arg1: memref<128x64xf32, #tpu.memory_space<vmem>>, %arg2: memref<128x64xf32, #tpu.memory_space<vmem>>, %arg3: memref<1x64xf32, #tpu.memory_space<vmem>>, %arg4: memref<10240x64xf32, #tpu.memory_space<vmem>>, %arg5: memref<10000x64xf32, #tpu.memory_space<vmem>>) attributes {dimension_semantics = [], scalar_prefetch = 0 : i64, scratch_operands = 0 : i64, tpu.core_type = #tpu.core_type<tc>} {
    %get3A = arith.constant 0 : index
    %get3A_0 = arith.constant 0 : index
    %get3A_1 = vector.load %arg0[%get3A, %get3A_0] : memref<10000x128xf32, #tpu.memory_space<vmem>>, vector<10000x128xf32>
    %get3A_2 = arith.constant 0 : index
    %get3A_3 = arith.constant 0 : index
    %get3A_4 = vector.load %arg1[%get3A_2, %get3A_3] : memref<128x64xf32, #tpu.memory_space<vmem>>, vector<128x64xf32>
    %dot_general3A = arith.constant dense<0.000000e+00> : vector<10000x64xf32>
    %dot_general3A_5 = tpu.matmul %get3A_1, %get3A_4, %dot_general3A {dimension_numbers = #tpu.dot_dimension_numbers<[1], [0], [0], [1], [0, 0, 1, 1], [], []>, transpose_lhs_hint = false} : vector<10000x128xf32>, vector<128x64xf32>, vector<10000x64xf32> -> vector<10000x64xf32>
    %swap3A = arith.constant 0 : index
    %swap3A_6 = arith.constant 0 : index
    %swap3A_7 = vector.load %arg4[%swap3A, %swap3A_6] : memref<10240x64xf32, #tpu.memory_space<vmem>>, vector<10000x64xf32>
    tpu.vector_store %arg4[%swap3A, %swap3A_6], %dot_general3A_5 {strides = array<i32>} : memref<10240x64xf32, #tpu.memory_space<vmem>>, vector<10000x64xf32>,
    %broadcast_in_dim3A = arith.constant 0.000000e+00 : f32
    %broadcast_in_dim3A_8 = vector.broadcast %broadcast_in_dim3A : f32 to vector<240x64xf32>
    %swap3A_9 = arith.constant 10000 : index
    %swap3A_10 = arith.constant 0 : index
    %swap3A_11 = vector.load %arg4[%swap3A_9, %swap3A_10] : memref<10240x64xf32, #tpu.memory_space<vmem>>, vector<240x64xf32>
    tpu.vector_store %arg4[%swap3A_9, %swap3A_10], %broadcast_in_dim3A_8 {strides = array<i32>} : memref<10240x64xf32, #tpu.memory_space<vmem>>, vector<240x64xf32>,
    %get3A_12 = arith.constant 0 : index
    %get3A_13 = arith.constant 0 : index
    %get3A_14 = vector.load %arg2[%get3A_12, %get3A_13] : memref<128x64xf32, #tpu.memory_space<vmem>>, vector<128x64xf32>
    %dot_general3A_15 = arith.constant dense<0.000000e+00> : vector<10000x64xf32>
    %dot_general3A_16 = tpu.matmul %get3A_1, %get3A_14, %dot_general3A_15 {dimension_numbers = #tpu.dot_dimension_numbers<[1], [0], [0], [1], [0, 0, 1, 1], [], []>, transpose_lhs_hint = false} : vector<10000x128xf32>, vector<128x64xf32>, vector<10000x64xf32> -> vector<10000x64xf32>
    %get3A_17 = arith.constant 0 : index
    %get3A_18 = arith.constant 0 : index
    %get3A_19 = vector.load %arg3[%get3A_17, %get3A_18] : memref<1x64xf32, #tpu.memory_space<vmem>>, vector<1x64xf32>
    %add3A = vector.broadcast %get3A_19 : vector<1x64xf32> to vector<10000x64xf32>
    %add3A_20 = arith.addf %dot_general3A_16, %add3A : vector<10000x64xf32>
    %swap3A_21 = arith.constant 0 : index
    %swap3A_22 = arith.constant 0 : index
    %swap3A_23 = vector.load %arg5[%swap3A_21, %swap3A_22] : memref<10000x64xf32, #tpu.memory_space<vmem>>, vector<10000x64xf32>
    tpu.vector_store %arg5[%swap3A_21, %swap3A_22], %add3A_20 {strides = array<i32>} : memref<10000x64xf32, #tpu.memory_space<vmem>>, vector<10000x64xf32>,
    return
  }
}

module attributes {stable_mosaic.version = 14 : i64} {
  func.func @_tc2_body(%arg0: memref<2x10240x64xf32, #tpu.memory_space<vmem>>, %arg1: memref<10000x64xf32, #tpu.memory_space<vmem>>, %arg2: memref<64x64xf32, #tpu.memory_space<vmem>>, %arg3: memref<64x64xf32, #tpu.memory_space<vmem>>, %arg4: memref<1x64xf32, #tpu.memory_space<vmem>>, %arg5: memref<10240x64xf32, #tpu.memory_space<vmem>>, %arg6: memref<10000x64xf32, #tpu.memory_space<vmem>>) attributes {dimension_semantics = [], scalar_prefetch = 0 : i64, scratch_operands = 0 : i64, tpu.core_type = #tpu.core_type<tc>} {
    %get3A = arith.constant 0 : index
    %get3A_0 = arith.constant 0 : index
    %get3A_1 = arith.constant 0 : index
    %get3A_2 = vector.load %arg0[%get3A, %get3A_0, %get3A_1] : memref<2x10240x64xf32, #tpu.memory_space<vmem>>, vector<1x10000x64xf32>
    %get3A_3 = vector.shape_cast %get3A_2 : vector<1x10000x64xf32> to vector<10000x64xf32>
    %get3A_4 = arith.constant 1 : index
    %get3A_5 = arith.constant 0 : index
    %get3A_6 = arith.constant 0 : index
    %get3A_7 = vector.load %arg0[%get3A_4, %get3A_5, %get3A_6] : memref<2x10240x64xf32, #tpu.memory_space<vmem>>, vector<1x10000x64xf32>
    %get3A_8 = vector.shape_cast %get3A_7 : vector<1x10000x64xf32> to vector<10000x64xf32>
    %add3A = arith.addf %get3A_3, %get3A_8 : vector<10000x64xf32>
    %get3A_9 = arith.constant 0 : index
    %get3A_10 = arith.constant 0 : index
    %get3A_11 = vector.load %arg1[%get3A_9, %get3A_10] : memref<10000x64xf32, #tpu.memory_space<vmem>>, vector<10000x64xf32>
    %add3A_12 = arith.addf %add3A, %get3A_11 : vector<10000x64xf32>
    %max3A = arith.constant 0.000000e+00 : f32
    %max3A_13 = vector.broadcast %max3A : f32 to vector<10000x64xf32>
    %max3A_14 = arith.maximumf %add3A_12, %max3A_13 : vector<10000x64xf32>
    %get3A_15 = arith.constant 0 : index
    %get3A_16 = arith.constant 0 : index
    %get3A_17 = vector.load %arg2[%get3A_15, %get3A_16] : memref<64x64xf32, #tpu.memory_space<vmem>>, vector<64x64xf32>
    %dot_general3A = arith.constant dense<0.000000e+00> : vector<10000x64xf32>
    %dot_general3A_18 = tpu.matmul %max3A_14, %get3A_17, %dot_general3A {dimension_numbers = #tpu.dot_dimension_numbers<[1], [0], [0], [1], [0, 0, 1, 1], [], []>, transpose_lhs_hint = false} : vector<10000x64xf32>, vector<64x64xf32>, vector<10000x64xf32> -> vector<10000x64xf32>
    %swap3A = arith.constant 0 : index
    %swap3A_19 = arith.constant 0 : index
    %swap3A_20 = vector.load %arg5[%swap3A, %swap3A_19] : memref<10240x64xf32, #tpu.memory_space<vmem>>, vector<10000x64xf32>
    tpu.vector_store %arg5[%swap3A, %swap3A_19], %dot_general3A_18 {strides = array<i32>} : memref<10240x64xf32, #tpu.memory_space<vmem>>, vector<10000x64xf32>,
    %broadcast_in_dim3A = arith.constant 0.000000e+00 : f32
    %broadcast_in_dim3A_21 = vector.broadcast %broadcast_in_dim3A : f32 to vector<240x64xf32>
    %swap3A_22 = arith.constant 10000 : index
    %swap3A_23 = arith.constant 0 : index
    %swap3A_24 = vector.load %arg5[%swap3A_22, %swap3A_23] : memref<10240x64xf32, #tpu.memory_space<vmem>>, vector<240x64xf32>
    tpu.vector_store %arg5[%swap3A_22, %swap3A_23], %broadcast_in_dim3A_21 {strides = array<i32>} : memref<10240x64xf32, #tpu.memory_space<vmem>>, vector<240x64xf32>,
    %get3A_25 = arith.constant 0 : index
    %get3A_26 = arith.constant 0 : index
    %get3A_27 = vector.load %arg3[%get3A_25, %get3A_26] : memref<64x64xf32, #tpu.memory_space<vmem>>, vector<64x64xf32>
    %dot_general3A_28 = arith.constant dense<0.000000e+00> : vector<10000x64xf32>
    %dot_general3A_29 = tpu.matmul %max3A_14, %get3A_27, %dot_general3A_28 {dimension_numbers = #tpu.dot_dimension_numbers<[1], [0], [0], [1], [0, 0, 1, 1], [], []>, transpose_lhs_hint = false} : vector<10000x64xf32>, vector<64x64xf32>, vector<10000x64xf32> -> vector<10000x64xf32>
    %get3A_30 = arith.constant 0 : index
    %get3A_31 = arith.constant 0 : index
    %get3A_32 = vector.load %arg4[%get3A_30, %get3A_31] : memref<1x64xf32, #tpu.memory_space<vmem>>, vector<1x64xf32>
    %add3A_33 = vector.broadcast %get3A_32 : vector<1x64xf32> to vector<10000x64xf32>
    %add3A_34 = arith.addf %dot_general3A_29, %add3A_33 : vector<10000x64xf32>
    %swap3A_35 = arith.constant 0 : index
    %swap3A_36 = arith.constant 0 : index
    %swap3A_37 = vector.load %arg6[%swap3A_35, %swap3A_36] : memref<10000x64xf32, #tpu.memory_space<vmem>>, vector<10000x64xf32>
    tpu.vector_store %arg6[%swap3A_35, %swap3A_36], %add3A_34 {strides = array<i32>} : memref<10000x64xf32, #tpu.memory_space<vmem>>, vector<10000x64xf32>,
    return
  }
}

module attributes {stable_mosaic.version = 14 : i64} {
  func.func @_tc3_body(%arg0: memref<2x10240x64xf32, #tpu.memory_space<vmem>>, %arg1: memref<10000x64xf32, #tpu.memory_space<vmem>>, %arg2: memref<64x2xf32, #tpu.memory_space<vmem>>, %arg3: memref<1x2xf32, #tpu.memory_space<vmem>>, %arg4: memref<1x2xf32, #tpu.memory_space<vmem>>) attributes {dimension_semantics = [], scalar_prefetch = 0 : i64, scratch_operands = 0 : i64, tpu.core_type = #tpu.core_type<tc>} {
    %get3A = arith.constant 0 : index
    %get3A_0 = arith.constant 0 : index
    %get3A_1 = arith.constant 0 : index
    %get3A_2 = vector.load %arg0[%get3A, %get3A_0, %get3A_1] : memref<2x10240x64xf32, #tpu.memory_space<vmem>>, vector<1x10000x64xf32>
    %get3A_3 = vector.shape_cast %get3A_2 : vector<1x10000x64xf32> to vector<10000x64xf32>
    %get3A_4 = arith.constant 1 : index
    %get3A_5 = arith.constant 0 : index
    %get3A_6 = arith.constant 0 : index
    %get3A_7 = vector.load %arg0[%get3A_4, %get3A_5, %get3A_6] : memref<2x10240x64xf32, #tpu.memory_space<vmem>>, vector<1x10000x64xf32>
    %get3A_8 = vector.shape_cast %get3A_7 : vector<1x10000x64xf32> to vector<10000x64xf32>
    %add3A = arith.addf %get3A_3, %get3A_8 : vector<10000x64xf32>
    %get3A_9 = arith.constant 0 : index
    %get3A_10 = arith.constant 0 : index
    %get3A_11 = vector.load %arg1[%get3A_9, %get3A_10] : memref<10000x64xf32, #tpu.memory_space<vmem>>, vector<10000x64xf32>
    %add3A_12 = arith.addf %add3A, %get3A_11 : vector<10000x64xf32>
    %max3A = arith.constant 0.000000e+00 : f32
    %max3A_13 = vector.broadcast %max3A : f32 to vector<10000x64xf32>
    %max3A_14 = arith.maximumf %add3A_12, %max3A_13 : vector<10000x64xf32>
    %reduce_sum3A = arith.constant dense<0.000000e+00> : vector<64xf32>
    %reduce_sum3A_15 = vector.multi_reduction <add>, %max3A_14, %reduce_sum3A [0] : vector<10000x64xf32> to vector<64xf32>
    %broadcast_in_dim3A = vector.shape_cast %reduce_sum3A_15 : vector<64xf32> to vector<1x64xf32>
    %mul3A = arith.constant 9.99999974E-5 : f32
    %mul3A_16 = vector.broadcast %mul3A : f32 to vector<1x64xf32>
    %mul3A_17 = arith.mulf %broadcast_in_dim3A, %mul3A_16 : vector<1x64xf32>
    %get3A_18 = arith.constant 0 : index
    %get3A_19 = arith.constant 0 : index
    %get3A_20 = vector.load %arg2[%get3A_18, %get3A_19] : memref<64x2xf32, #tpu.memory_space<vmem>>, vector<64x2xf32>
    %dot_general3A = arith.constant dense<0.000000e+00> : vector<1x2xf32>
    %dot_general3A_21 = tpu.matmul %mul3A_17, %get3A_20, %dot_general3A {dimension_numbers = #tpu.dot_dimension_numbers<[1], [0], [0], [1], [0, 0, 1, 1], [], []>, transpose_lhs_hint = false} : vector<1x64xf32>, vector<64x2xf32>, vector<1x2xf32> -> vector<1x2xf32>
    %get3A_22 = arith.constant 0 : index
    %get3A_23 = arith.constant 0 : index
    %get3A_24 = vector.load %arg3[%get3A_22, %get3A_23] : memref<1x2xf32, #tpu.memory_space<vmem>>, vector<1x2xf32>
    %add3A_25 = arith.addf %dot_general3A_21, %get3A_24 : vector<1x2xf32>
    %swap3A = arith.constant 0 : index
    %swap3A_26 = arith.constant 0 : index
    %swap3A_27 = vector.load %arg4[%swap3A, %swap3A_26] : memref<1x2xf32, #tpu.memory_space<vmem>>, vector<1x2xf32>
    tpu.vector_store %arg4[%swap3A, %swap3A_26], %add3A_25 {strides = array<i32>} : memref<1x2xf32, #tpu.memory_space<vmem>>, vector<1x2xf32>,
    return
  }
}

</mosaic_0001>

<sc_bundles>
// kernel: kernel.10.cloned.1.call-start
scs
__scs_entry_jumppad:
0x0: {  	(pc) =	sbr.rel $0x88, $3  }
0x1: {  	(tag) =	ssettag $0x0;
	lr =	simm.s32 $0x1  }
0x2: {  	[smem:$0x3F97] =	sst lr;
	_ =	strace $0xD0000000  }
0x3: {  	_ = 	snop  }
0x4: {  	_ = 	snop  }
0x5: {  	_ = 	snop  }
0x6: {  	_ = 	snop  }
0x7: {  	_ = 	snop  }
__scs_overlays_trampoline_lowered:
0x8: {  	[smem:$0x3FA6] =	sst s0  }
0x9: {  	[smem:$0x3FA7] =	sst s1  }
0xa: {  	[smem:$0x3FA8] =	sst s2  }
0xb: {  	[smem:$0x3FA9] =	sst s3  }
0xc: {  	[smem:$0x3FAA] =	sst s4  }
0xd: {  	[smem:$0x3FAB] =	sst s5  }
0xe: {  	[smem:$0x3FAC] =	sst s6  }
0xf: {  	[smem:$0x3FAD] =	sst s7  }
0x10: {  	[smem:$0x3FAE] =	sst s8  }
0x11: {  	[smem:$0x3FAF] =	sst s9;
	s0 =	simm.s32 @!p0 $0x0  }
0x12: {  	s1 =	sld [smem:$0x3F95];
	s0 =	simm.s32 @p0 $0x1  }
0x13: {  	[smem:$0x3FB0] =	sst s0;
	s0 =	simm.s32 @!p1 $0x0  }
0x14: {  	s2 =	sld [smem:$0x3F94];
	s0 =	simm.s32 @p1 $0x1  }
0x15: {  	[smem:$0x3FB1] =	sst s0;
	s0 =	simm.s32 @!p2 $0x0  }
0x16: {  	s3 =	sld [smem:$0x3FDB];
	s0 =	simm.s32 @p2 $0x1  }
0x17: {  	s4 =	simm.s32 $0x1BF5;
	[smem:$0x3FB3] =	sst s0  }
0x18: {  	s0 =	sld [smem:$0x3F96];
	_ =	swait.ge [sflag:s4], $0x0  }
0x19: {  	s7 =	sld [smem:$0x3F97]  }
0x1a: {  	s8 =	sadd.s32 $0xFFFFE003, lr  }
0x1b: {  	s9 =	sadd.s32 $0xFFFFFEF7, lr;
	s5 =	simm.s32 $0xFFFFFFFF;
	p2 =	slt.u32 s8, $0xFFFFF086  }
0x1c: {  	p1 =	slt.u32 s9, $0xF7A;
	s5 =	simm.s32 @!p2 $0x0  }
0x1d: {  	s5 =	simm.s32 @p1 $0x1;
	p0 =	seq.s32 s7, s2  }
0x1e: {  	s7 =	smul.u32 @!p0 $0xF7A, s2;
	p2 =	seq.s32 @!p0 s5, $0x0  }
0x1f: {  	s9 =	smul.u32 $0xF7A, s1;
	s8 =	simm.s32 @!p0 $0x1BF5;
	p2 =	por !p2, p0  }
0x20: {  	[sflag:s8] =	ssyncset.s32 @!p0 $0xFFFFF086;
	s6 =	sadd.s32 @!p0 s3, s7;
	s7 =	simm.s32 @!p0 $0x108  }
0x21: {  	s3 =	sadd.s32 s3, s9;
	s6 =	sadd.s32 @!p0 $0x88, s6;
	s7 =	simm.s32 @p2 $0x1082  }
0x22: {  	[simem:s7], [sflag:s8] =	dma.local @!p0 [hbm:s6], $0xF7A  }
0x23: {  	s9 =	sor.u32 $0xD0000000, s2;
	s6 =	simm.s32 $0x108;
	_ =	swait.ge @!p0 [sflag:s8], $0x0  }
0x24: {  	s3 =	sadd.s32 $0x88, s3;
	s6 =	simm.s32 @!p1 $0x1082;
	[sflag:s4] =	ssyncset.s32 $0xFFFFF086  }
0x25: {  	[simem:s6], [sflag:s4] =	dma.local [hbm:s3], $0xF7A  }
0x26: {  	[smem:$0x3F97] =	sst s1;
	(tag) =	ssettag s2;
	_ =	strace s9  }
0x27: {  	s1 =	sld [smem:$0x3FA7]  }
0x28: {  	s2 =	sld [smem:$0x3FA8]  }
0x29: {  	s4 =	sld [smem:$0x3FAA]  }
0x2a: {  	p0 =	seq.s32 s5, $0x0;
	s5 =	sld [smem:$0x3FAB]  }
0x2b: {  	s6 =	sld [smem:$0x3FAC]  }
0x2c: {  	s7 =	sld [smem:$0x3FAD]  }
0x2d: {  	s3 =	simm.s32 $0x108;
	s8 =	sld [smem:$0x3FAE]  }
0x2e: {  	s3 =	simm.s32 @!p0 $0x1082;
	s9 =	sld [smem:$0x3FAF]  }
0x2f: {  	lr =	sadd.s32 s0, s3;
	s0 =	sld [smem:$0x3FA6]  }
0x30: {  	s3 =	sld [smem:$0x3FA9]  }
0x31: {  	[smem:$0x3FB2] =	sst s10  }
0x32: {  	s10 =	sld [smem:$0x3FB0];
	_ =	sdelay $0x3  }
0x33: {  	p0 =	seq.s32 s10, $0x1;
	s10 =	sld [smem:$0x3FB2];
	_ =	sdelay $0x3  }
0x34: {  	[smem:$0x3FB2] =	sst s10  }
0x35: {  	s10 =	sld [smem:$0x3FB1];
	_ =	sdelay $0x3  }
0x36: {  	p1 =	seq.s32 s10, $0x1;
	s10 =	sld [smem:$0x3FB2];
	_ =	sdelay $0x3  }
0x37: {  	[smem:$0x3FB2] =	sst s10  }
0x38: {  	s10 =	sld [smem:$0x3FB3]  }
0x39: {  	_ = 	snop;
	(pc) =	sbr.ind lr, $3  }
0x3a: {  	_ = 	snop  }
0x3b: {  	_ = 	snop  }
0x3c: {  	p2 =	seq.s32 s10, $0x1;
	s10 =	sld [smem:$0x3FB2]  }
0x3d: {  	_ =	shalt  }
0x3e: {  	_ =	shalt  }
0x3f: {  	_ =	shalt  }
0x40: {  	_ =	shalt  }
0x41: {  	_ =	shalt  }
0x42: {  	_ =	shalt  }
0x43: {  	_ =	shalt  }
0x44: {  	_ =	shalt  }
0x45: {  	_ =	shalt  }
0x46: {  	_ =	shalt  }
0x47: {  	_ =	shalt  }
0x48: {  	_ =	shalt  }
0x49: {  	_ =	shalt  }
0x4a: {  	_ =	shalt  }
0x4b: {  	_ =	shalt  }
0x4c: {  	_ =	shalt  }
0x4d: {  	_ =	shalt  }
0x4e: {  	_ =	shalt  }
0x4f: {  	_ =	shalt  }
0x50: {  	_ =	shalt  }
0x51: {  	_ =	shalt  }
0x52: {  	_ =	shalt  }
0x53: {  	_ =	shalt  }
0x54: {  	_ =	shalt  }
0x55: {  	_ =	shalt  }
0x56: {  	_ =	shalt  }
0x57: {  	_ =	shalt  }
0x58: {  	_ =	shalt  }
0x59: {  	_ =	shalt  }
0x5a: {  	_ =	shalt  }
0x5b: {  	_ =	shalt  }
0x5c: {  	_ =	shalt  }
0x5d: {  	_ =	shalt  }
0x5e: {  	_ =	shalt  }
0x5f: {  	_ =	shalt  }
0x60: {  	_ =	shalt  }
0x61: {  	_ =	shalt  }
0x62: {  	_ =	shalt  }
0x63: {  	_ =	shalt  }
0x64: {  	_ =	shalt  }
0x65: {  	_ =	shalt  }
0x66: {  	_ =	shalt  }
0x67: {  	_ =	shalt  }
0x68: {  	_ =	shalt  }
0x69: {  	_ =	shalt  }
0x6a: {  	_ =	shalt  }
0x6b: {  	_ =	shalt  }
0x6c: {  	_ =	shalt  }
0x6d: {  	_ =	shalt  }
0x6e: {  	_ =	shalt  }
0x6f: {  	_ =	shalt  }
0x70: {  	_ =	shalt  }
0x71: {  	_ =	shalt  }
0x72: {  	_ =	shalt  }
0x73: {  	_ =	shalt  }
0x74: {  	_ =	shalt  }
0x75: {  	_ =	shalt  }
0x76: {  	_ =	shalt  }
0x77: {  	_ =	shalt  }
0x78: {  	_ =	shalt  }
0x79: {  	_ =	shalt  }
0x7a: {  	_ =	shalt  }
0x7b: {  	_ =	shalt  }
0x7c: {  	_ =	shalt  }
0x7d: {  	_ =	shalt  }
0x7e: {  	_ =	shalt  }
0x7f: {  	_ =	shalt  }
0x80: {  	_ =	shalt  }
0x81: {  	_ =	shalt  }
0x82: {  	_ =	shalt  }
0x83: {  	_ =	shalt  }
0x84: {  	_ =	shalt  }
0x85: {  	_ =	shalt  }
0x86: {  	_ =	shalt  }
0x87: {  	_ =	shalt  }
.Lfunc_end0:
.L_simem_size_0:
called_computation.1_lowered:
.L_overlay_start_0:
0x88: {  	s2 =	sld [smem:$0x3FD9]  }
0x89: {  	s3 =	sld [smem:$0x3FFE];
	_ =	sdelay $0x1  }
0x8a: {  	s1 =	srdreg.scid  }
0x8b: {  	s0 =	sand.u32 $0x1, s1  }
0x8c: {  	s16 =	sshll.u32 s0, $0xA;
	s2 =	sadd.s32 s3, s2  }
0x8d: {  	s2 =	sadd.s32 s2, s16  }
0x8e: {  	[smem:$0x3FBE] =	sst s2  }
0x8f: {  	_ = 	snop  }
0x90: {  	(tm) =	ssettm $0x1  }
0x91: {  	s17 =	sld [smem:$0x3FFB];
	_ =	sdelay $0x3  }
0x92: {  	_ =	strace s17  }
0x93: {  	s2 =	sld [smem:$0x3FFC];
	_ =	sdelay $0x3  }
0x94: {  	_ =	strace s2  }
0x95: {  	s2 =	sld [smem:$0x3FFD];
	_ =	sdelay $0x3  }
0x96: {  	_ =	strace s2  }
0x97: {  	_ =	strace $0x8FFFFFFF  }
0x98: {  	s18 =	sld [smem:$0x3FDB];
	_ =	sdelay $0x1  }
0x99: {  	s19 =	simm.s32 $_scs_section_size  }
0x9a: {  	s4 =	simm.s32 $_size__tile_overlayer_lowered;
	s5 =	simm.s32 $_tile_overlayer_lowered  }
0x9b: {  	s22 =	simm.s32 $0x1BFF;
	s21 =	sshll.u32 s5, $0x1;
	s2 =	sadd.s32 s19, s18  }
0x9c: {  	s6 =	simm.s32 $0x0;
	s20 =	sshll.u32 s4, $0x1;
	s4 =	sadd.s32 s21, s2  }
0x9d: {  	[timem:s6], [sflag:s22] =	dma.local [hbm:s4], s20  }
0x9e: {  	_ =	swait.ge [sflag:s22], s20  }
0x9f: {  	s3 =	ssub.s32 $0x0, s20;
	[sflag:s22] =	ssyncset.done $0x0  }
0xa0: {  	[sflag:s22] =	ssyncadd.s32 s3;
	_ =	sdelay $0x1  }
0xa1: {  	s23 =	simm.s32 $0x1B8B  }
0xa2: {  	_ =	swait.ge [sflag:s23], $0x1  }
0xa3: {  	[sflag:s23] =	ssyncset.done $0x0  }
0xa4: {  	s25 =	simm.s32 $0x1B8E;
	s24 =	sld [smem:$0x3FFE];
	[sflag:s23] =	ssyncadd.s32 $0xFFFFFFFF  }
0xa5: {  	s26 =	simm.s32 $execute0_lowered;
	[smem:$0x3FD2] =	sst s25  }
0xa6: {  	s4 =	sshll.u32 s26, $0x1;
	_ =	strace $0x80000049;
	[dreg:$0x1] =	wrdreg $0xFFFFFFFF  }
0xa7: {  	s28 =	simm.s32 $_size_execute0_lowered;
	s2 =	sadd.s32 s2, s4;
	[dreg:$0x0] =	wrdreg $0x0  }
0xa8: {  	s4 =	sshll.u32 s28, $0x1;
	[dreg:$0x2] =	wrdreg s2  }
0xa9: {  	[dreg:$0x3] =	wrdreg s4  }
0xaa: {  	[dreg:$0x4] =	wrdreg $0xC0  }
0xab: {  	_ =	task [dreg:s6], $0x5FFFF  }
0xac: {  	[dreg:$0x1] =	wrdreg $0xFFFFFFFF  }
0xad: {  	[dreg:$0x0] =	wrdreg $0x60  }
0xae: {  	[dreg:$0x2] =	wrdreg s24  }
0xaf: {  	[dreg:$0x3] =	wrdreg $0x90000  }
0xb0: {  	[dreg:$0x4] =	wrdreg $0x130000  }
0xb1: {  	[dreg:$0x5] =	wrdreg $0x9  }
0xb2: {  	_ =	task.clear_ibuf [dreg:s6], $0x6FFFF;
	_ =	strace $0x90000049  }
0xb3: {  	s29 =	simm.s32 $0x9;
	_ =	strace $0x8000004B  }
0xb4: {  	_ =	swait.ge [sflag:s29], $0x1  }
0xb5: {  	[sflag:s29] =	ssyncadd.s32 $0xFFFFFFFF  }
0xb6: {  	_ =	strace $0x9000004B  }
0xb7: {  	_ =	sfence  }
0xb8: {  	s30 =	sld [smem:$0x0];
	_ =	sdelay $0x2  }
0xb9: {  	s31 =	sshll.u32 s1, $0xD;
	s1 =	sshrl.u32 s1, $0x2  }
0xba: {  	s3 =	sand.u32 $0x4000, s31;
	s1 =	sadd.s32 s1, s30  }
0xbb: {  	s0 =	sor.u32 s3, s0;
	s1 =	sshll.u32 s1, $0x11  }
0xbc: {  	s0 =	sor.u32 s1, s0  }
0xbd: {  	s0 =	sadd.s32 $0x8F2B, s0  }
0xbe: {  	[sflag:s0] =	ssyncadd.remote.s32 $0x1  }
0xbf: {  	_ =	sfence.sel $0xFFFF  }
0xc0: {  	[dreg:$0x0] =	wrdreg $0xFFFFFFFF;
	(pc) =	sbr.abs _section_cstart, $3  }
0xc1: {  	[dreg:$0x1] =	wrdreg $0xFFFFFFFF  }
0xc2: {  	_ =	task.clear_ibuf [dreg:s6], $0x2FFFF;
	_ =	strace $0x9FFFFFFF  }
0xc3: {  	(tm) =	ssettm $0x7FFFFFFF  }
tec
execute0_lowered:
.L_overlay_start_1:
0x0: {  	(tag) =	ssettag $0x1  }
0x1: {  	s6 =	rddreg [dreg:$0x0]  }
0x2: {  	s1 =	rddreg [dreg:$0x1]  }
0x3: {  	s3 =	rddreg [dreg:$0x2]  }
0x4: {  	s0 =	stileid.u32;
	s2 =	srdreg.scid  }
0x5: {  	s4 =	simm.s32 $0x0;
	s16 =	simm.s32 $0x5000;
	s17 =	simm.s32 $0x1  }
0x6: {  	s7 =	smul.u32 $0xA000, s0;
	s8 =	sand.u32 $0x1, s2;
	s2 =	rddreg [dreg:$0x3]  }
0x7: {  	s5 =	sshll.u32 s0, $0x1;
	[smem:$0x7FF] =	sst s4;
	s12 =	sshll.u32 s0, $0x6  }
0x8: {  	s5 =	sor.u32 s8, s5;
	_ =	strace $0x8000004A;
	s10 =	smul.u32 $0x14000, s8  }
0x9: {  	s8 =	ssub.s32 $0x2, s8;
	s18 =	sshrl.u32 s7, $0x3;
	s5 =	smul.u32 $0x500, s5  }
0xa: {  	s31 =	sshrl.u32 s8, $0x1;
	s14 =	sadd.s32 s7, s1;
	s15 =	sadd.s32 s7, s3  }
0xb: {  	s9 =	sadd.s32 s18, s6;
	s10 =	sadd.s32 s10, s6;
	s13 =	ssub.s32 s8, s31  }
0xc: {  	s11 =	sadd.s32 s5, s6;
	s5 =	sadd.s32 $0x29600, s6;
	s6 =	sor.u32 $0x1C02, s12  }
0xd: {  	s7 =	sadd.s32 $0x1600, s9;
	s19 =	sadd.s32 $0x2AA00, s10;
	s10 =	smax.u32 s13, $0x1  }
0xe: {  	s12 =	simm.s32 $0x2;
	s13 =	sshrl.u32 s15, $0x3;
	s15 =	simm.s32 $0x100  }
0xf: {  	s8 =	sadd.s32 $0x1F600, s11;
	s9 =	sadd.s32 $0x15600, s11;
	s11 =	sshrl.u32 s14, $0x3  }
0x10: {  	s14 =	simm.s32 $0x2800;
	s18 =	sadd.s32 s18, s19;
	s19 =	simm.s32 $0x0  }
.LBB2_1:
0x11: {  	[spmem:s11], [sflag:s6] =	dma.local [hbm:s5], $0x1400  }
0x12: {  	_ =	swait.ge [sflag:s12], $0x1400  }
0x13: {  	[sflag:s12] =	ssyncset.done $0x0  }
0x14: {  	[sflag:s12] =	ssyncadd.s32 $0xFFFFEC00  }
0x15: {  	[spmem:s13], [sflag:s6] =	dma.local [hbm:s7], $0x1400  }
0x16: {  	_ =	swait.ge [sflag:s12], $0x1400  }
0x17: {  	[sflag:s12] =	ssyncset.done $0x0  }
0x18: {  	[sflag:s12] =	ssyncadd.s32 $0xFFFFEC00  }
0x19: {  	[tilespmem:s4], [sflag:$0x2] =	stream.linear.gather [hbm4b:s8+s4], $0x2800, $0x38;
	[tilespmem:$0x1D000] =	vst v63  }
0x1a: {  	_ =	swait.ge [sflag:s12], $0x2800  }
0x1b: {  	[sflag:s12] =	ssyncset.done $0x0  }
0x1c: {  	[sflag:s12] =	ssyncadd.s32 $0xFFFFD800  }
0x1d: {  	[tilespmem:s14], [sflag:$0x2] =	stream.linear.gather [hbm4b:s9+s4], $0x2800, $0x38;
	[tilespmem:$0x1D000] =	vst v63  }
0x1e: {  	_ =	swait.ge [sflag:s12], $0x2800  }
0x1f: {  	[sflag:s12] =	ssyncset.done $0x0  }
0x20: {  	[sflag:s12] =	ssyncadd.s32 $0xFFFFD800  }
0x21: {  	s20 =	simm.s32 $0x0;
	[bflag:$0x0] =	sbarrier.arrive $0xFFFF  }
0x22: {  	[tilespmem:s16], [sflag:$0x1] =	stream.indirect.gather [spmem:s3], $0x40, s20, s15, $0xb8;
	[tilespmem:$0x1D000] =	vst v63  }
0x23: {  	_ =	swait.ge [sflag:s17], $0x4000  }
0x24: {  	[sflag:s17] =	ssyncset.done $0x0  }
0x25: {  	s31 =	simm.s32 $0x2800;
	[sflag:s17] =	ssyncadd.s32 $0xFFFFC000  }
0x26: {  	[spmem:s1] =	stream.indirect.scatter.add.f32 [tilespmem:s16], [sflag:$0x2], $0x40, s31, s15, $0xb8;
	[tilespmem:$0x1D000] =	vst v63  }
0x27: {  	_ =	swait.ge [sflag:s12], $0x4000  }
0x28: {  	s21 =	simm.s32 $0x800;
	s20 =	simm.s32 $0x400;
	[sflag:s12] =	ssyncset.done $0x0  }
.LBB2_2:
0x29: {  	s22 =	sshra.s32 s20, $0x2  }
0x2a: {  	[sflag:s12] =	ssyncadd.s32 $0xFFFFC000;
	s20 =	smov.u32 s21;
	s23 =	sadd.s32 $0x400, s21  }
0x2b: {  	[tilespmem:s16], [sflag:$0x1] =	stream.indirect.gather [spmem:s3], $0x40, s22, s15, $0xb8;
	[tilespmem:$0x1D000] =	vst v63  }
0x2c: {  	p0 =	sne.s32 s21, $0x9C00;
	_ =	swait.ge [sflag:s17], $0x4000  }
.Ltmp0:
0x2d: {  	[sflag:s17] =	ssyncset.done $0x0;
	(pc) =	sbr.rel @p0 .LBB2_2-.Ltmp0, $4  }
0x2e: {  	s21 =	sadd.s32 $0x2800, s22;
	[sflag:s17] =	ssyncadd.s32 $0xFFFFC000  }
0x2f: {  	[spmem:s1] =	stream.indirect.scatter.add.f32 [tilespmem:s16], [sflag:$0x2], $0x40, s21, s15, $0xb8;
	[tilespmem:$0x1D000] =	vst v63  }
0x30: {  	_ =	swait.ge [sflag:s12], $0x4000  }
0x31: {  	s21 =	smov.u32 s23;
	[sflag:s12] =	ssyncset.done $0x0  }
0x32: {  	s20 =	sshra.s32 s20, $0x2;
	[sflag:s12] =	ssyncadd.s32 $0xFFFFC000  }
0x33: {  	[tilespmem:s16], [sflag:$0x1] =	stream.indirect.gather [spmem:s3], $0x40, s20, s15, $0xb8;
	[tilespmem:$0x1D000] =	vst v63  }
0x34: {  	_ =	swait.ge [sflag:s17], $0x4000  }
0x35: {  	[sflag:s17] =	ssyncset.done $0x0  }
0x36: {  	s20 =	sadd.s32 $0x2800, s20;
	[sflag:s17] =	ssyncadd.s32 $0xFFFFC000  }
0x37: {  	[spmem:s1] =	stream.indirect.scatter.add.f32 [tilespmem:s16], [sflag:$0x2], $0x40, s20, s15, $0xb8;
	[tilespmem:$0x1D000] =	vst v63  }
0x38: {  	_ =	swait.ge [sflag:s12], $0x4000  }
0x39: {  	s19 =	sadd.s32 $0x1, s19;
	[sflag:s12] =	ssyncset.done $0x0  }
0x3a: {  	p0 =	sne.s32 s19, s10;
	[sflag:s12] =	ssyncadd.s32 $0xFFFFC000  }
.Ltmp1:
0x3b: {  	[bflag:$0x0] =	sbarrier.arrive $0xFFFF;
	(pc) =	sbr.rel @p0 .LBB2_1-.Ltmp1, $4  }
0x3c: {  	[hbm:s18], [sflag:s6] =	dma.local [spmem:s11], $0x1400  }
0x3d: {  	_ =	swait.ge [sflag:s12], $0x1400  }
0x3e: {  	[sflag:s12] =	ssyncset.done $0x0  }
0x3f: {  	[sflag:s12] =	ssyncadd.s32 $0xFFFFEC00  }
0x40: {  	_ =	sfence.sel $0x180000  }
0x41: {  	[bflag:$0x0] =	sbarrier.arrive $0xFFFF  }
0x42: {  	p0 =	sne.s32 s0, $0x0;
	_ =	strace $0x9000004A  }
0x43: {  	s0 =	sadd.s32 @!p0 $0x100000, s2;
	[bflag:$0x2] =	sbarrier.arrive $0xFFFF  }
0x44: {  	[sflag:s0] =	ssyncadd.tile.s32 @!p0 $0x1;
	_ =	shalt  }
.Lfunc_end2:
_tile_overlayer_lowered:
.L_overlay_start_2:
0x45: {  	(tag) =	ssettag $0x2  }
0x46: {  	s0 =	rddreg [dreg:$0x0];
	s2 =	stileid.u32  }
0x47: {  	s1 =	rddreg [dreg:$0x1];
	p0 =	sne.s32 s2, $0x0  }
0x48: {  	s3 =	rddreg [dreg:$0x2];
	[bflag:$0x3] =	sbarrier.arrive $0xFFFF;
	s2 =	simm.s32 @!p0 $0x1C02  }
0x49: {  	[timem:s3], [sflag:s2] =	dma.local @!p0 [hbm:s0], s1  }
0x4a: {  	s0 =	simm.s32 @!p0 $0x2  }
0x4b: {  	_ =	swait.ge @!p0 [sflag:s0], s1  }
0x4c: {  	s1 =	ssub.s32 @!p0 $0x0, s1;
	[sflag:s0] =	ssyncset.done @!p0 $0x0  }
0x4d: {  	[sflag:s0] =	ssyncadd.s32 @!p0 s1  }
0x4e: {  	[bflag:$0x3] =	sbarrier.arrive $0xFFFF  }
0x4f: {  	_ =	shalt  }

// kernel: kernel.7.cloned.1.call-start
scs
__scs_entry_jumppad:
0x0: {  	(pc) =	sbr.rel $0x88, $3  }
0x1: {  	(tag) =	ssettag $0x0;
	lr =	simm.s32 $0x1  }
0x2: {  	[smem:$0x3F97] =	sst lr;
	_ =	strace $0xD0000000  }
0x3: {  	_ = 	snop  }
0x4: {  	_ = 	snop  }
0x5: {  	_ = 	snop  }
0x6: {  	_ = 	snop  }
0x7: {  	_ = 	snop  }
__scs_overlays_trampoline_lowered:
0x8: {  	[smem:$0x3FA6] =	sst s0  }
0x9: {  	[smem:$0x3FA7] =	sst s1  }
0xa: {  	[smem:$0x3FA8] =	sst s2  }
0xb: {  	[smem:$0x3FA9] =	sst s3  }
0xc: {  	[smem:$0x3FAA] =	sst s4  }
0xd: {  	[smem:$0x3FAB] =	sst s5  }
0xe: {  	[smem:$0x3FAC] =	sst s6  }
0xf: {  	[smem:$0x3FAD] =	sst s7  }
0x10: {  	[smem:$0x3FAE] =	sst s8  }
0x11: {  	[smem:$0x3FAF] =	sst s9;
	s0 =	simm.s32 @!p0 $0x0  }
0x12: {  	s1 =	sld [smem:$0x3F95];
	s0 =	simm.s32 @p0 $0x1  }
0x13: {  	[smem:$0x3FB0] =	sst s0;
	s0 =	simm.s32 @!p1 $0x0  }
0x14: {  	s2 =	sld [smem:$0x3F94];
	s0 =	simm.s32 @p1 $0x1  }
0x15: {  	[smem:$0x3FB1] =	sst s0;
	s0 =	simm.s32 @!p2 $0x0  }
0x16: {  	s3 =	sld [smem:$0x3FDB];
	s0 =	simm.s32 @p2 $0x1  }
0x17: {  	s4 =	simm.s32 $0x1BF5;
	[smem:$0x3FB3] =	sst s0  }
0x18: {  	s0 =	sld [smem:$0x3F96];
	_ =	swait.ge [sflag:s4], $0x0  }
0x19: {  	s7 =	sld [smem:$0x3F97]  }
0x1a: {  	s8 =	sadd.s32 $0xFFFFE003, lr  }
0x1b: {  	s9 =	sadd.s32 $0xFFFFFEF7, lr;
	s5 =	simm.s32 $0xFFFFFFFF;
	p2 =	slt.u32 s8, $0xFFFFF086  }
0x1c: {  	p1 =	slt.u32 s9, $0xF7A;
	s5 =	simm.s32 @!p2 $0x0  }
0x1d: {  	s5 =	simm.s32 @p1 $0x1;
	p0 =	seq.s32 s7, s2  }
0x1e: {  	s7 =	smul.u32 @!p0 $0xF7A, s2;
	p2 =	seq.s32 @!p0 s5, $0x0  }
0x1f: {  	s9 =	smul.u32 $0xF7A, s1;
	s8 =	simm.s32 @!p0 $0x1BF5;
	p2 =	por !p2, p0  }
0x20: {  	[sflag:s8] =	ssyncset.s32 @!p0 $0xFFFFF086;
	s6 =	sadd.s32 @!p0 s3, s7;
	s7 =	simm.s32 @!p0 $0x108  }
0x21: {  	s3 =	sadd.s32 s3, s9;
	s6 =	sadd.s32 @!p0 $0x88, s6;
	s7 =	simm.s32 @p2 $0x1082  }
0x22: {  	[simem:s7], [sflag:s8] =	dma.local @!p0 [hbm:s6], $0xF7A  }
0x23: {  	s9 =	sor.u32 $0xD0000000, s2;
	s6 =	simm.s32 $0x108;
	_ =	swait.ge @!p0 [sflag:s8], $0x0  }
0x24: {  	s3 =	sadd.s32 $0x88, s3;
	s6 =	simm.s32 @!p1 $0x1082;
	[sflag:s4] =	ssyncset.s32 $0xFFFFF086  }
0x25: {  	[simem:s6], [sflag:s4] =	dma.local [hbm:s3], $0xF7A  }
0x26: {  	[smem:$0x3F97] =	sst s1;
	(tag) =	ssettag s2;
	_ =	strace s9  }
0x27: {  	s1 =	sld [smem:$0x3FA7]  }
0x28: {  	s2 =	sld [smem:$0x3FA8]  }
0x29: {  	s4 =	sld [smem:$0x3FAA]  }
0x2a: {  	p0 =	seq.s32 s5, $0x0;
	s5 =	sld [smem:$0x3FAB]  }
0x2b: {  	s6 =	sld [smem:$0x3FAC]  }
0x2c: {  	s7 =	sld [smem:$0x3FAD]  }
0x2d: {  	s3 =	simm.s32 $0x108;
	s8 =	sld [smem:$0x3FAE]  }
0x2e: {  	s3 =	simm.s32 @!p0 $0x1082;
	s9 =	sld [smem:$0x3FAF]  }
0x2f: {  	lr =	sadd.s32 s0, s3;
	s0 =	sld [smem:$0x3FA6]  }
0x30: {  	s3 =	sld [smem:$0x3FA9]  }
0x31: {  	[smem:$0x3FB2] =	sst s10  }
0x32: {  	s10 =	sld [smem:$0x3FB0];
	_ =	sdelay $0x3  }
0x33: {  	p0 =	seq.s32 s10, $0x1;
	s10 =	sld [smem:$0x3FB2];
	_ =	sdelay $0x3  }
0x34: {  	[smem:$0x3FB2] =	sst s10  }
0x35: {  	s10 =	sld [smem:$0x3FB1];
	_ =	sdelay $0x3  }
0x36: {  	p1 =	seq.s32 s10, $0x1;
	s10 =	sld [smem:$0x3FB2];
	_ =	sdelay $0x3  }
0x37: {  	[smem:$0x3FB2] =	sst s10  }
0x38: {  	s10 =	sld [smem:$0x3FB3]  }
0x39: {  	_ = 	snop;
	(pc) =	sbr.ind lr, $3  }
0x3a: {  	_ = 	snop  }
0x3b: {  	_ = 	snop  }
0x3c: {  	p2 =	seq.s32 s10, $0x1;
	s10 =	sld [smem:$0x3FB2]  }
0x3d: {  	_ =	shalt  }
0x3e: {  	_ =	shalt  }
0x3f: {  	_ =	shalt  }
0x40: {  	_ =	shalt  }
0x41: {  	_ =	shalt  }
0x42: {  	_ =	shalt  }
0x43: {  	_ =	shalt  }
0x44: {  	_ =	shalt  }
0x45: {  	_ =	shalt  }
0x46: {  	_ =	shalt  }
0x47: {  	_ =	shalt  }
0x48: {  	_ =	shalt  }
0x49: {  	_ =	shalt  }
0x4a: {  	_ =	shalt  }
0x4b: {  	_ =	shalt  }
0x4c: {  	_ =	shalt  }
0x4d: {  	_ =	shalt  }
0x4e: {  	_ =	shalt  }
0x4f: {  	_ =	shalt  }
0x50: {  	_ =	shalt  }
0x51: {  	_ =	shalt  }
0x52: {  	_ =	shalt  }
0x53: {  	_ =	shalt  }
0x54: {  	_ =	shalt  }
0x55: {  	_ =	shalt  }
0x56: {  	_ =	shalt  }
0x57: {  	_ =	shalt  }
0x58: {  	_ =	shalt  }
0x59: {  	_ =	shalt  }
0x5a: {  	_ =	shalt  }
0x5b: {  	_ =	shalt  }
0x5c: {  	_ =	shalt  }
0x5d: {  	_ =	shalt  }
0x5e: {  	_ =	shalt  }
0x5f: {  	_ =	shalt  }
0x60: {  	_ =	shalt  }
0x61: {  	_ =	shalt  }
0x62: {  	_ =	shalt  }
0x63: {  	_ =	shalt  }
0x64: {  	_ =	shalt  }
0x65: {  	_ =	shalt  }
0x66: {  	_ =	shalt  }
0x67: {  	_ =	shalt  }
0x68: {  	_ =	shalt  }
0x69: {  	_ =	shalt  }
0x6a: {  	_ =	shalt  }
0x6b: {  	_ =	shalt  }
0x6c: {  	_ =	shalt  }
0x6d: {  	_ =	shalt  }
0x6e: {  	_ =	shalt  }
0x6f: {  	_ =	shalt  }
0x70: {  	_ =	shalt  }
0x71: {  	_ =	shalt  }
0x72: {  	_ =	shalt  }
0x73: {  	_ =	shalt  }
0x74: {  	_ =	shalt  }
0x75: {  	_ =	shalt  }
0x76: {  	_ =	shalt  }
0x77: {  	_ =	shalt  }
0x78: {  	_ =	shalt  }
0x79: {  	_ =	shalt  }
0x7a: {  	_ =	shalt  }
0x7b: {  	_ =	shalt  }
0x7c: {  	_ =	shalt  }
0x7d: {  	_ =	shalt  }
0x7e: {  	_ =	shalt  }
0x7f: {  	_ =	shalt  }
0x80: {  	_ =	shalt  }
0x81: {  	_ =	shalt  }
0x82: {  	_ =	shalt  }
0x83: {  	_ =	shalt  }
0x84: {  	_ =	shalt  }
0x85: {  	_ =	shalt  }
0x86: {  	_ =	shalt  }
0x87: {  	_ =	shalt  }
.Lfunc_end0:
.L_simem_size_0:
called_computation_lowered:
.L_overlay_start_0:
0x88: {  	s2 =	sld [smem:$0x3FD9]  }
0x89: {  	s3 =	sld [smem:$0x3FFE];
	_ =	sdelay $0x1  }
0x8a: {  	s1 =	srdreg.scid  }
0x8b: {  	s0 =	sand.u32 $0x1, s1  }
0x8c: {  	s16 =	sshll.u32 s0, $0xA;
	s2 =	sadd.s32 s3, s2  }
0x8d: {  	s2 =	sadd.s32 s2, s16  }
0x8e: {  	[smem:$0x3FBE] =	sst s2  }
0x8f: {  	_ = 	snop  }
0x90: {  	(tm) =	ssettm $0x1  }
0x91: {  	s17 =	sld [smem:$0x3FFB];
	_ =	sdelay $0x3  }
0x92: {  	_ =	strace s17  }
0x93: {  	s2 =	sld [smem:$0x3FFC];
	_ =	sdelay $0x3  }
0x94: {  	_ =	strace s2  }
0x95: {  	s2 =	sld [smem:$0x3FFD];
	_ =	sdelay $0x3  }
0x96: {  	_ =	strace s2  }
0x97: {  	_ =	strace $0x8FFFFFFF  }
0x98: {  	s18 =	sld [smem:$0x3FDB];
	_ =	sdelay $0x1  }
0x99: {  	s19 =	simm.s32 $_scs_section_size  }
0x9a: {  	s4 =	simm.s32 $_size__tile_overlayer_lowered;
	s5 =	simm.s32 $_tile_overlayer_lowered  }
0x9b: {  	s22 =	simm.s32 $0x1BFF;
	s21 =	sshll.u32 s5, $0x1;
	s2 =	sadd.s32 s19, s18  }
0x9c: {  	s6 =	simm.s32 $0x0;
	s20 =	sshll.u32 s4, $0x1;
	s4 =	sadd.s32 s21, s2  }
0x9d: {  	[timem:s6], [sflag:s22] =	dma.local [hbm:s4], s20  }
0x9e: {  	_ =	swait.ge [sflag:s22], s20  }
0x9f: {  	s3 =	ssub.s32 $0x0, s20;
	[sflag:s22] =	ssyncset.done $0x0  }
0xa0: {  	[sflag:s22] =	ssyncadd.s32 s3;
	_ =	sdelay $0x1  }
0xa1: {  	s23 =	simm.s32 $0x1B8B  }
0xa2: {  	_ =	swait.ge [sflag:s23], $0x1  }
0xa3: {  	[sflag:s23] =	ssyncset.done $0x0  }
0xa4: {  	s25 =	simm.s32 $0x1B8E;
	s24 =	sld [smem:$0x3FFE];
	[sflag:s23] =	ssyncadd.s32 $0xFFFFFFFF  }
0xa5: {  	s26 =	simm.s32 $execute0_lowered;
	[smem:$0x3FD2] =	sst s25  }
0xa6: {  	s4 =	sshll.u32 s26, $0x1;
	_ =	strace $0x80000046;
	[dreg:$0x1] =	wrdreg $0xFFFFFFFF  }
0xa7: {  	s28 =	simm.s32 $_size_execute0_lowered;
	s2 =	sadd.s32 s2, s4;
	[dreg:$0x0] =	wrdreg $0x0  }
0xa8: {  	s4 =	sshll.u32 s28, $0x1;
	[dreg:$0x2] =	wrdreg s2  }
0xa9: {  	[dreg:$0x3] =	wrdreg s4  }
0xaa: {  	[dreg:$0x4] =	wrdreg $0xC0  }
0xab: {  	_ =	task [dreg:s6], $0x5FFFF  }
0xac: {  	[dreg:$0x1] =	wrdreg $0xFFFFFFFF  }
0xad: {  	[dreg:$0x0] =	wrdreg $0x60  }
0xae: {  	[dreg:$0x2] =	wrdreg s24  }
0xaf: {  	[dreg:$0x3] =	wrdreg $0x90000  }
0xb0: {  	[dreg:$0x4] =	wrdreg $0x130000  }
0xb1: {  	[dreg:$0x5] =	wrdreg $0x9  }
0xb2: {  	_ =	task.clear_ibuf [dreg:s6], $0x6FFFF;
	_ =	strace $0x90000046  }
0xb3: {  	s29 =	simm.s32 $0x9;
	_ =	strace $0x80000048  }
0xb4: {  	_ =	swait.ge [sflag:s29], $0x1  }
0xb5: {  	[sflag:s29] =	ssyncadd.s32 $0xFFFFFFFF  }
0xb6: {  	_ =	strace $0x90000048  }
0xb7: {  	_ =	sfence  }
0xb8: {  	s30 =	sld [smem:$0x0];
	_ =	sdelay $0x2  }
0xb9: {  	s31 =	sshll.u32 s1, $0xD;
	s1 =	sshrl.u32 s1, $0x2  }
0xba: {  	s3 =	sand.u32 $0x4000, s31;
	s1 =	sadd.s32 s1, s30  }
0xbb: {  	s0 =	sor.u32 s3, s0;
	s1 =	sshll.u32 s1, $0x11  }
0xbc: {  	s0 =	sor.u32 s1, s0  }
0xbd: {  	s0 =	sadd.s32 $0x8F2B, s0  }
0xbe: {  	[sflag:s0] =	ssyncadd.remote.s32 $0x1  }
0xbf: {  	_ =	sfence.sel $0xFFFF  }
0xc0: {  	[dreg:$0x0] =	wrdreg $0xFFFFFFFF;
	(pc) =	sbr.abs _section_cstart, $3  }
0xc1: {  	[dreg:$0x1] =	wrdreg $0xFFFFFFFF  }
0xc2: {  	_ =	task.clear_ibuf [dreg:s6], $0x2FFFF;
	_ =	strace $0x9FFFFFFF  }
0xc3: {  	(tm) =	ssettm $0x7FFFFFFF  }
tec
execute0_lowered:
.L_overlay_start_1:
0x0: {  	(tag) =	ssettag $0x1  }
0x1: {  	s6 =	rddreg [dreg:$0x0]  }
0x2: {  	s1 =	rddreg [dreg:$0x1]  }
0x3: {  	s3 =	rddreg [dreg:$0x2]  }
0x4: {  	s0 =	stileid.u32;
	s2 =	srdreg.scid  }
0x5: {  	s4 =	simm.s32 $0x0;
	s16 =	simm.s32 $0x5000;
	s17 =	simm.s32 $0x1  }
0x6: {  	s7 =	smul.u32 $0xA000, s0;
	s8 =	sand.u32 $0x1, s2;
	s2 =	rddreg [dreg:$0x3]  }
0x7: {  	s5 =	sshll.u32 s0, $0x1;
	[smem:$0x7FF] =	sst s4;
	s12 =	sshll.u32 s0, $0x6  }
0x8: {  	s5 =	sor.u32 s8, s5;
	_ =	strace $0x80000047;
	s10 =	smul.u32 $0x14000, s8  }
0x9: {  	s8 =	ssub.s32 $0x2, s8;
	s18 =	sshrl.u32 s7, $0x3;
	s5 =	smul.u32 $0x500, s5  }
0xa: {  	s31 =	sshrl.u32 s8, $0x1;
	s14 =	sadd.s32 s7, s1;
	s15 =	sadd.s32 s7, s3  }
0xb: {  	s9 =	sadd.s32 s18, s6;
	s10 =	sadd.s32 s10, s6;
	s13 =	ssub.s32 s8, s31  }
0xc: {  	s11 =	sadd.s32 s5, s6;
	s5 =	sadd.s32 $0x29600, s6;
	s6 =	sor.u32 $0x1C02, s12  }
0xd: {  	s7 =	sadd.s32 $0x1600, s9;
	s19 =	sadd.s32 $0x2AA00, s10;
	s10 =	smax.u32 s13, $0x1  }
0xe: {  	s12 =	simm.s32 $0x2;
	s13 =	sshrl.u32 s15, $0x3;
	s15 =	simm.s32 $0x100  }
0xf: {  	s8 =	sadd.s32 $0x1F600, s11;
	s9 =	sadd.s32 $0x15600, s11;
	s11 =	sshrl.u32 s14, $0x3  }
0x10: {  	s14 =	simm.s32 $0x2800;
	s18 =	sadd.s32 s18, s19;
	s19 =	simm.s32 $0x0  }
.LBB2_1:
0x11: {  	[spmem:s11], [sflag:s6] =	dma.local [hbm:s5], $0x1400  }
0x12: {  	_ =	swait.ge [sflag:s12], $0x1400  }
0x13: {  	[sflag:s12] =	ssyncset.done $0x0  }
0x14: {  	[sflag:s12] =	ssyncadd.s32 $0xFFFFEC00  }
0x15: {  	[spmem:s13], [sflag:s6] =	dma.local [hbm:s7], $0x1400  }
0x16: {  	_ =	swait.ge [sflag:s12], $0x1400  }
0x17: {  	[sflag:s12] =	ssyncset.done $0x0  }
0x18: {  	[sflag:s12] =	ssyncadd.s32 $0xFFFFEC00  }
0x19: {  	[tilespmem:s4], [sflag:$0x2] =	stream.linear.gather [hbm4b:s8+s4], $0x2800, $0x38;
	[tilespmem:$0x1D000] =	vst v63  }
0x1a: {  	_ =	swait.ge [sflag:s12], $0x2800  }
0x1b: {  	[sflag:s12] =	ssyncset.done $0x0  }
0x1c: {  	[sflag:s12] =	ssyncadd.s32 $0xFFFFD800  }
0x1d: {  	[tilespmem:s14], [sflag:$0x2] =	stream.linear.gather [hbm4b:s9+s4], $0x2800, $0x38;
	[tilespmem:$0x1D000] =	vst v63  }
0x1e: {  	_ =	swait.ge [sflag:s12], $0x2800  }
0x1f: {  	[sflag:s12] =	ssyncset.done $0x0  }
0x20: {  	[sflag:s12] =	ssyncadd.s32 $0xFFFFD800  }
0x21: {  	s20 =	simm.s32 $0x0;
	[bflag:$0x0] =	sbarrier.arrive $0xFFFF  }
0x22: {  	[tilespmem:s16], [sflag:$0x1] =	stream.indirect.gather [spmem:s3], $0x40, s20, s15, $0xb8;
	[tilespmem:$0x1D000] =	vst v63  }
0x23: {  	_ =	swait.ge [sflag:s17], $0x4000  }
0x24: {  	[sflag:s17] =	ssyncset.done $0x0  }
0x25: {  	s31 =	simm.s32 $0x2800;
	[sflag:s17] =	ssyncadd.s32 $0xFFFFC000  }
0x26: {  	[spmem:s1] =	stream.indirect.scatter.add.f32 [tilespmem:s16], [sflag:$0x2], $0x40, s31, s15, $0xb8;
	[tilespmem:$0x1D000] =	vst v63  }
0x27: {  	_ =	swait.ge [sflag:s12], $0x4000  }
0x28: {  	s21 =	simm.s32 $0x800;
	s20 =	simm.s32 $0x400;
	[sflag:s12] =	ssyncset.done $0x0  }
.LBB2_2:
0x29: {  	s22 =	sshra.s32 s20, $0x2  }
0x2a: {  	[sflag:s12] =	ssyncadd.s32 $0xFFFFC000;
	s20 =	smov.u32 s21;
	s23 =	sadd.s32 $0x400, s21  }
0x2b: {  	[tilespmem:s16], [sflag:$0x1] =	stream.indirect.gather [spmem:s3], $0x40, s22, s15, $0xb8;
	[tilespmem:$0x1D000] =	vst v63  }
0x2c: {  	p0 =	sne.s32 s21, $0x9C00;
	_ =	swait.ge [sflag:s17], $0x4000  }
.Ltmp0:
0x2d: {  	[sflag:s17] =	ssyncset.done $0x0;
	(pc) =	sbr.rel @p0 .LBB2_2-.Ltmp0, $4  }
0x2e: {  	s21 =	sadd.s32 $0x2800, s22;
	[sflag:s17] =	ssyncadd.s32 $0xFFFFC000  }
0x2f: {  	[spmem:s1] =	stream.indirect.scatter.add.f32 [tilespmem:s16], [sflag:$0x2], $0x40, s21, s15, $0xb8;
	[tilespmem:$0x1D000] =	vst v63  }
0x30: {  	_ =	swait.ge [sflag:s12], $0x4000  }
0x31: {  	s21 =	smov.u32 s23;
	[sflag:s12] =	ssyncset.done $0x0  }
0x32: {  	s20 =	sshra.s32 s20, $0x2;
	[sflag:s12] =	ssyncadd.s32 $0xFFFFC000  }
0x33: {  	[tilespmem:s16], [sflag:$0x1] =	stream.indirect.gather [spmem:s3], $0x40, s20, s15, $0xb8;
	[tilespmem:$0x1D000] =	vst v63  }
0x34: {  	_ =	swait.ge [sflag:s17], $0x4000  }
0x35: {  	[sflag:s17] =	ssyncset.done $0x0  }
0x36: {  	s20 =	sadd.s32 $0x2800, s20;
	[sflag:s17] =	ssyncadd.s32 $0xFFFFC000  }
0x37: {  	[spmem:s1] =	stream.indirect.scatter.add.f32 [tilespmem:s16], [sflag:$0x2], $0x40, s20, s15, $0xb8;
	[tilespmem:$0x1D000] =	vst v63  }
0x38: {  	_ =	swait.ge [sflag:s12], $0x4000  }
0x39: {  	s19 =	sadd.s32 $0x1, s19;
	[sflag:s12] =	ssyncset.done $0x0  }
0x3a: {  	p0 =	sne.s32 s19, s10;
	[sflag:s12] =	ssyncadd.s32 $0xFFFFC000  }
.Ltmp1:
0x3b: {  	[bflag:$0x0] =	sbarrier.arrive $0xFFFF;
	(pc) =	sbr.rel @p0 .LBB2_1-.Ltmp1, $4  }
0x3c: {  	[hbm:s18], [sflag:s6] =	dma.local [spmem:s11], $0x1400  }
0x3d: {  	_ =	swait.ge [sflag:s12], $0x1400  }
0x3e: {  	[sflag:s12] =	ssyncset.done $0x0  }
0x3f: {  	[sflag:s12] =	ssyncadd.s32 $0xFFFFEC00  }
0x40: {  	_ =	sfence.sel $0x180000  }
0x41: {  	[bflag:$0x0] =	sbarrier.arrive $0xFFFF  }
0x42: {  	p0 =	sne.s32 s0, $0x0;
	_ =	strace $0x90000047  }
0x43: {  	s0 =	sadd.s32 @!p0 $0x100000, s2;
	[bflag:$0x2] =	sbarrier.arrive $0xFFFF  }
0x44: {  	[sflag:s0] =	ssyncadd.tile.s32 @!p0 $0x1;
	_ =	shalt  }
.Lfunc_end2:
_tile_overlayer_lowered:
.L_overlay_start_2:
0x45: {  	(tag) =	ssettag $0x2  }
0x46: {  	s0 =	rddreg [dreg:$0x0];
	s2 =	stileid.u32  }
0x47: {  	s1 =	rddreg [dreg:$0x1];
	p0 =	sne.s32 s2, $0x0  }
0x48: {  	s3 =	rddreg [dreg:$0x2];
	[bflag:$0x3] =	sbarrier.arrive $0xFFFF;
	s2 =	simm.s32 @!p0 $0x1C02  }
0x49: {  	[timem:s3], [sflag:s2] =	dma.local @!p0 [hbm:s0], s1  }
0x4a: {  	s0 =	simm.s32 @!p0 $0x2  }
0x4b: {  	_ =	swait.ge @!p0 [sflag:s0], s1  }
0x4c: {  	s1 =	ssub.s32 @!p0 $0x0, s1;
	[sflag:s0] =	ssyncset.done @!p0 $0x0  }
0x4d: {  	[sflag:s0] =	ssyncadd.s32 @!p0 s1  }
0x4e: {  	[bflag:$0x3] =	sbarrier.arrive $0xFFFF  }
0x4f: {  	_ =	shalt  }

</sc_bundles>
